<compile_context>
chip_gen: v7x
topology: tpu7x:2x2x1
jax: 0.10.2.dev20260603
libtpu: 0.0.44.dev20260713+nightly
codegen_flags: <defaults>
</compile_context>

<pallas_src>
import jax
import jax.numpy as jnp
from jax import lax
from jax.experimental import pallas as pl
from jax.experimental.pallas import tpu as pltpu
from jax.experimental.pallas import tpu_sc as plsc
from jax._src.pallas import mpmd

B, K = 16384, 100
NW = 32
COLS_W = B // NW
RC = 128
N_ROUNDS = COLS_W // RC
NV = 1000000


def _scs_fn(v_hbm, idx_hbm, out_hbm, vs, idx_a, idx_b, out_a, out_b,
            sem_i, sem_ga, sem_gb, sem_o, sem_scs, sem_rdy):
    del idx_hbm, out_hbm, idx_a, idx_b, out_a, out_b, sem_i, sem_ga
    del sem_gb, sem_o
    pltpu.async_copy(v_hbm, vs, sem_scs).wait()

    @pl.loop(0, 16)
    def _signal(i):
        pltpu.semaphore_signal(sem_rdy, 1, device_id={"s": i})


def _tec_fn(v_hbm, idx_hbm, out_hbm, vs, idx_a, idx_b, out_a, out_b,
            sem_i, sem_ga, sem_gb, sem_o, sem_scs, sem_rdy):
    del v_hbm, sem_scs
    sid = lax.axis_index("s")
    wid = sid * 2 + lax.axis_index("c")
    col0 = wid * COLS_W

    idx_bufs = [idx_a, idx_b]
    out_bufs = [out_a, out_b]
    gsems = [sem_ga, sem_gb]

    def idx_slice(h):
        return idx_hbm.at[:, pl.ds(col0 + h * RC, RC)]

    def out_slice(h):
        return out_hbm.at[:, pl.ds(col0 + h * RC, RC)]

    def fire(h):
        cur_idx, cur_out, gs = idx_bufs[h % 2], out_bufs[h % 2], gsems[h % 2]
        with jax.named_scope("fire"):

            @pl.loop(0, K, unroll=4)
            def _fire(r):
                pltpu.async_copy(vs.at[cur_idx.at[r]], cur_out.at[r], gs)

    def drain(h):
        with jax.named_scope("drain"):
            pltpu.make_async_copy(out_slice(h), out_bufs[h % 2],
                                  gsems[h % 2]).wait()

    pltpu.async_copy(idx_slice(0), idx_a, sem_i)
    pltpu.async_copy(idx_slice(1), idx_b, sem_i)
    pltpu.make_async_copy(idx_slice(0), idx_a, sem_i).wait()
    with jax.named_scope("stage_wait"):
        pltpu.semaphore_wait(sem_rdy, 1)

    fire(0)
    for h in range(1, N_ROUNDS):
        with jax.named_scope("idx_wait"):
            pltpu.make_async_copy(idx_slice(h), idx_bufs[h % 2], sem_i).wait()
        if h >= 2:
            with jax.named_scope("store_wait"):
                pltpu.make_async_copy(out_bufs[h % 2], out_slice(h - 2),
                                      sem_o).wait()
        drain(h - 1)
        pltpu.async_copy(out_bufs[(h - 1) % 2], out_slice(h - 1), sem_o)
        if h + 1 < N_ROUNDS:
            pltpu.async_copy(idx_slice(h + 1), idx_bufs[(h + 1) % 2], sem_i)
        fire(h)

    drain(N_ROUNDS - 1)
    pltpu.async_copy(out_bufs[(N_ROUNDS - 1) % 2], out_slice(N_ROUNDS - 1),
                     sem_o)
    with jax.named_scope("tail_waits"):
        pltpu.make_async_copy(out_bufs[(N_ROUNDS - 2) % 2],
                              out_slice(N_ROUNDS - 2), sem_o).wait()
        pltpu.make_async_copy(out_bufs[(N_ROUNDS - 1) % 2],
                              out_slice(N_ROUNDS - 1), sem_o).wait()


@jax.jit
def _sc_gather(v, idx_t):
    scalar_mesh = plsc.ScalarSubcoreMesh(axis_name="c", num_cores=2)
    vector_mesh = plsc.VectorSubcoreMesh(core_axis_name="c",
                                         subcore_axis_name="s")
    f = mpmd.mpmd_map(
        [(scalar_mesh, _scs_fn), (vector_mesh, _tec_fn)],
        out_types=jax.ShapeDtypeStruct((K, B), jnp.float32),
        scratch_types=[
            pltpu.VMEM_SHARED((NV,), jnp.float32),
            pltpu.VMEM((K, RC), jnp.int32) @ vector_mesh,
            pltpu.VMEM((K, RC), jnp.int32) @ vector_mesh,
            pltpu.VMEM((K, RC), jnp.float32) @ vector_mesh,
            pltpu.VMEM((K, RC), jnp.float32) @ vector_mesh,
            pltpu.SemaphoreType.DMA @ vector_mesh,
            pltpu.SemaphoreType.DMA @ vector_mesh,
            pltpu.SemaphoreType.DMA @ vector_mesh,
            pltpu.SemaphoreType.DMA @ vector_mesh,
            pltpu.SemaphoreType.DMA @ scalar_mesh,
            pltpu.SemaphoreType.REGULAR @ vector_mesh,
        ],
    )
    return f(v, idx_t)


def kernel(idx, v):
    out_t = _sc_gather(v, idx.astype(jnp.int32).T)
    return out_t.T

# --- scband reference (transcript-rebuilt; emitter-appended) ---
"""Pipeline reference for scband-vector-18098992185912 (READ-ONLY COPY).

The authoritative reference and input builder live on the scoring server;
editing this copy changes nothing except your own understanding.
"""

import jax, jax.numpy as jnp
import numpy as np

N_DIMS = 1000000

def setup_inputs(seed: int = 0) -> dict:
    key = jax.random.key(seed)
    k1, k2 = jax.random.split(key)
    # xavier_uniform on v[None, :] -> fan_in=1... torch computes fan over (1, n_dims): fan_in=n_dims, fan_out=1
    bound = float(np.sqrt(6.0 / (N_DIMS + 1)))
    v = jax.random.uniform(k1, (N_DIMS,), minval=-bound, maxval=bound, dtype=jnp.float32)
    idx = jax.random.randint(k2, (16384, 100), 0, N_DIMS, dtype=jnp.int64 if jax.config.jax_enable_x64 else jnp.int32)
    return {"idx": idx, "v": v}

def reference(idx, v):
    # Vector.forward: return self.v[idx]
    return jnp.take(v, idx, axis=0)

if __name__ == "__main__":
    import jax
    _d = setup_inputs()
    print(jax.jit(kernel)(*tuple(_d.values())))

</pallas_src>

<mosaic_0001>
#map = affine_map<(d0) -> (0)>
#map1 = affine_map<(d0) -> (0, 0)>
#map2 = affine_map<(d0, d1) -> (0)>
#map3 = affine_map<(d0, d1) -> (0, 0)>
module attributes {stable_mosaic.version = 14 : i64} {
  func.func @_scs_fn(%arg0: i32, %arg1: memref<1000000xf32, #tpu.memory_space<hbm>>, %arg2: memref<100x16384xi32, #tpu.memory_space<hbm>>, %arg3: memref<100x16384xf32, #tpu.memory_space<hbm>>, %arg4: memref<1000000xf32, #tpu.memory_space<vmem_shared>>, %arg5: memref<100x128xi32, #tpu.memory_space<vmem, sc_vector_subcore>>, %arg6: memref<100x128xi32, #tpu.memory_space<vmem, sc_vector_subcore>>, %arg7: memref<100x128xf32, #tpu.memory_space<vmem, sc_vector_subcore>>, %arg8: memref<100x128xf32, #tpu.memory_space<vmem, sc_vector_subcore>>, %arg9: memref<!tpu.dma_semaphore, #tpu.memory_space<semaphore_mem, sc_vector_subcore>>, %arg10: memref<!tpu.dma_semaphore, #tpu.memory_space<semaphore_mem, sc_vector_subcore>>, %arg11: memref<!tpu.dma_semaphore, #tpu.memory_space<semaphore_mem, sc_vector_subcore>>, %arg12: memref<!tpu.dma_semaphore, #tpu.memory_space<semaphore_mem, sc_vector_subcore>>, %arg13: memref<!tpu.dma_semaphore, #tpu.memory_space<semaphore_mem>>, %arg14: memref<!tpu.semaphore, #tpu.memory_space<semaphore_mem, sc_vector_subcore>>) attributes {dimension_semantics = [#tpu.dimension_semantics<core_parallel>], iteration_bounds = array<i64: 2>, scalar_prefetch = 0 : i64, scratch_operands = 11 : i64, tpu.core_type = #tpu.core_type<sc_scalar_subcore>, window_params = [{transform_indices = #map}, {transform_indices = #map1}, {transform_indices = #map1}]} {
    tpu.enqueue_dma source(%arg1 : memref<1000000xf32, #tpu.memory_space<hbm>>) target(%arg4 : memref<1000000xf32, #tpu.memory_space<vmem_shared>>) target_semaphore(%arg13 : memref<!tpu.dma_semaphore, #tpu.memory_space<semaphore_mem>>)
    tpu.wait_dma2 semaphore(%arg13 : memref<!tpu.dma_semaphore, #tpu.memory_space<semaphore_mem>>) src(%arg1 : memref<1000000xf32, #tpu.memory_space<hbm>>) dst(%arg4 : memref<1000000xf32, #tpu.memory_space<vmem_shared>>)
    %scan3A = arith.constant 0 : i32
    %scan3A_0 = arith.constant 16 : i32
    %scan3A_1 = arith.addi %scan3A, %scan3A_0 : i32
    %scan3A_2 = arith.constant 1 : i32
    scf.for %scan3A_4 = %scan3A to %scan3A_1 step %scan3A_2  : i32 {
      %mul3A = arith.constant 1 : i32
      %mul3A_5 = arith.muli %scan3A_4, %mul3A : i32
      %add3A = arith.constant 0 : i32
      %add3A_6 = arith.addi %add3A, %mul3A_5 : i32
      %semaphore_signal3A = arith.constant 1 : i32
      tpu.sem_signal %arg14, %semaphore_signal3A core_id %arg0 subcore_id %add3A_6 : memref<!tpu.semaphore, #tpu.memory_space<semaphore_mem, sc_vector_subcore>>
    }
    %scan3A_3 = arith.constant 16 : i32
    return
  }
  func.func @_tec_fn(%arg0: i32, %arg1: i32, %arg2: memref<1000000xf32, #tpu.memory_space<hbm>>, %arg3: memref<100x16384xi32, #tpu.memory_space<hbm>>, %arg4: memref<100x16384xf32, #tpu.memory_space<hbm>>, %arg5: memref<1000000xf32, #tpu.memory_space<vmem_shared>>, %arg6: memref<100x128xi32, #tpu.memory_space<vmem>>, %arg7: memref<100x128xi32, #tpu.memory_space<vmem>>, %arg8: memref<100x128xf32, #tpu.memory_space<vmem>>, %arg9: memref<100x128xf32, #tpu.memory_space<vmem>>, %arg10: memref<!tpu.dma_semaphore, #tpu.memory_space<semaphore_mem>>, %arg11: memref<!tpu.dma_semaphore, #tpu.memory_space<semaphore_mem>>, %arg12: memref<!tpu.dma_semaphore, #tpu.memory_space<semaphore_mem>>, %arg13: memref<!tpu.dma_semaphore, #tpu.memory_space<semaphore_mem>>, %arg14: memref<!tpu.dma_semaphore, #tpu.memory_space<semaphore_mem, sc_scalar_subcore>>, %arg15: memref<!tpu.semaphore, #tpu.memory_space<semaphore_mem>>) attributes {dimension_semantics = [#tpu.dimension_semantics<core_parallel>, #tpu.dimension_semantics<subcore_parallel>], iteration_bounds = array<i64: 2, 16>, scalar_prefetch = 0 : i64, scratch_operands = 11 : i64, tpu.core_type = #tpu.core_type<sc_vector_subcore>, window_params = [{transform_indices = #map2}, {transform_indices = #map3}, {transform_indices = #map3}]} {
    %mul3A = arith.constant 2 : i32
    %mul3A_0 = arith.muli %arg1, %mul3A : i32
    %add3A = arith.addi %mul3A_0, %arg0 : i32
    %mul3A_1 = arith.constant 512 : i32
    %mul3A_2 = arith.muli %add3A, %mul3A_1 : i32
    %add3A_3 = arith.constant 0 : i32
    %add3A_4 = arith.addi %mul3A_2, %add3A_3 : i32
    %dma_start3A = arith.constant 0 : i32
    %dma_start3A_5 = tpu.memref_slice %arg3[%dma_start3A, %add3A_4] : memref<100x16384xi32, #tpu.memory_space<hbm>> -> memref<100x128xi32, #tpu.memory_space<hbm>>
    %dma_start3A_6 = arith.constant 0 : i32
    %dma_start3A_7 = tpu.memref_slice %arg3[%dma_start3A_6, %add3A_4] : memref<100x16384xi32, #tpu.memory_space<hbm>> -> memref<100x128xi32, #tpu.memory_space<hbm>>
    tpu.enqueue_dma source(%dma_start3A_7 : memref<100x128xi32, #tpu.memory_space<hbm>>) target(%arg6 : memref<100x128xi32, #tpu.memory_space<vmem>>) target_semaphore(%arg10 : memref<!tpu.dma_semaphore, #tpu.memory_space<semaphore_mem>>)
    %add3A_8 = arith.constant 128 : i32
    %add3A_9 = arith.addi %mul3A_2, %add3A_8 : i32
    %dma_start3A_10 = arith.constant 0 : i32
    %dma_start3A_11 = tpu.memref_slice %arg3[%dma_start3A_10, %add3A_9] : memref<100x16384xi32, #tpu.memory_space<hbm>> -> memref<100x128xi32, #tpu.memory_space<hbm>>
    %dma_start3A_12 = arith.constant 0 : i32
    %dma_start3A_13 = tpu.memref_slice %arg3[%dma_start3A_12, %add3A_9] : memref<100x16384xi32, #tpu.memory_space<hbm>> -> memref<100x128xi32, #tpu.memory_space<hbm>>
    tpu.enqueue_dma source(%dma_start3A_13 : memref<100x128xi32, #tpu.memory_space<hbm>>) target(%arg7 : memref<100x128xi32, #tpu.memory_space<vmem>>) target_semaphore(%arg10 : memref<!tpu.dma_semaphore, #tpu.memory_space<semaphore_mem>>)
    %add3A_14 = arith.constant 0 : i32
    %add3A_15 = arith.addi %mul3A_2, %add3A_14 : i32
    %dma_wait3A = arith.constant 0 : i32
    %dma_wait3A_16 = tpu.memref_slice %arg3[%dma_wait3A, %add3A_15] : memref<100x16384xi32, #tpu.memory_space<hbm>> -> memref<100x128xi32, #tpu.memory_space<hbm>>
    %dma_wait3A_17 = arith.constant 0 : i32
    %dma_wait3A_18 = tpu.memref_slice %arg3[%dma_wait3A_17, %add3A_15] : memref<100x16384xi32, #tpu.memory_space<hbm>> -> memref<100x128xi32, #tpu.memory_space<hbm>>
    tpu.wait_dma2 semaphore(%arg10 : memref<!tpu.dma_semaphore, #tpu.memory_space<semaphore_mem>>) src(%dma_wait3A_18 : memref<100x128xi32, #tpu.memory_space<hbm>>) dst(%arg6 : memref<100x128xi32, #tpu.memory_space<vmem>>)
    %semaphore_wait3A = arith.constant 1 : i32
    %semaphore_wait3A_19 = arith.constant true
    "tpu.trace_start"() <{level = 10 : i32, message = "stage_wait"}> : () -> ()
    tpu.sem_wait %arg15, %semaphore_wait3A : memref<!tpu.semaphore, #tpu.memory_space<semaphore_mem>>
    "tpu.trace_stop"() : () -> ()
    "tpu.trace_start"() <{level = 10 : i32, message = "fire"}> : () -> ()
    %scan3A = arith.constant 0 : i32
    %scan3A_20 = arith.constant 100 : i32
    %scan3A_21 = arith.addi %scan3A, %scan3A_20 : i32
    %scan3A_22 = arith.constant 4 : i32
    scf.for %scan3A_141 = %scan3A to %scan3A_21 step %scan3A_22  : i32 {
      %mul3A_142 = arith.constant 1 : i32
      %mul3A_143 = arith.muli %scan3A_141, %mul3A_142 : i32
      %add3A_144 = arith.constant 0 : i32
      %add3A_145 = arith.addi %add3A_144, %mul3A_143 : i32
      %dma_start3A_146 = arith.constant 0 : i32
      %dma_start3A_147 = tpu.memref_slice %arg8[%add3A_145, %dma_start3A_146] : memref<100x128xf32, #tpu.memory_space<vmem>> -> memref<1x128xf32, #tpu.memory_space<vmem>>
      %dma_start3A_148 = tpu.memref_squeeze %dma_start3A_147 : memref<1x128xf32, #tpu.memory_space<vmem>> -> memref<128xf32, #tpu.memory_space<vmem>>
      %dma_start3A_149 = arith.constant 0 : i32
      %dma_start3A_150 = tpu.memref_slice %arg6[%add3A_145, %dma_start3A_149] : memref<100x128xi32, #tpu.memory_space<vmem>> -> memref<1x128xi32, #tpu.memory_space<vmem>>
      %dma_start3A_151 = tpu.memref_squeeze %dma_start3A_150 : memref<1x128xi32, #tpu.memory_space<vmem>> -> memref<128xi32, #tpu.memory_space<vmem>>
      %dma_start3A_152 = arith.constant 0 : i32
      %dma_start3A_153 = tpu.memref_slice %arg5[%dma_start3A_152] : memref<1000000xf32, #tpu.memory_space<vmem_shared>> -> memref<1000000xf32, #tpu.memory_space<vmem_shared>>
      tpu.enqueue_indirect_dma source(%dma_start3A_153 : memref<1000000xf32, #tpu.memory_space<vmem_shared>>) target(%dma_start3A_148 : memref<128xf32, #tpu.memory_space<vmem>>) offsets(%dma_start3A_151 : memref<128xi32, #tpu.memory_space<vmem>>) semaphore(%arg11 : memref<!tpu.dma_semaphore, #tpu.memory_space<semaphore_mem>>)
      %scan3A_154 = arith.constant 1 : i32
      %scan3A_155 = arith.addi %scan3A_141, %scan3A_154 : i32
      %mul3A_156 = arith.constant 1 : i32
      %mul3A_157 = arith.muli %scan3A_155, %mul3A_156 : i32
      %add3A_158 = arith.constant 0 : i32
      %add3A_159 = arith.addi %add3A_158, %mul3A_157 : i32
      %dma_start3A_160 = arith.constant 0 : i32
      %dma_start3A_161 = tpu.memref_slice %arg8[%add3A_159, %dma_start3A_160] : memref<100x128xf32, #tpu.memory_space<vmem>> -> memref<1x128xf32, #tpu.memory_space<vmem>>
      %dma_start3A_162 = tpu.memref_squeeze %dma_start3A_161 : memref<1x128xf32, #tpu.memory_space<vmem>> -> memref<128xf32, #tpu.memory_space<vmem>>
      %dma_start3A_163 = arith.constant 0 : i32
      %dma_start3A_164 = tpu.memref_slice %arg6[%add3A_159, %dma_start3A_163] : memref<100x128xi32, #tpu.memory_space<vmem>> -> memref<1x128xi32, #tpu.memory_space<vmem>>
      %dma_start3A_165 = tpu.memref_squeeze %dma_start3A_164 : memref<1x128xi32, #tpu.memory_space<vmem>> -> memref<128xi32, #tpu.memory_space<vmem>>
      %dma_start3A_166 = arith.constant 0 : i32
      %dma_start3A_167 = tpu.memref_slice %arg5[%dma_start3A_166] : memref<1000000xf32, #tpu.memory_space<vmem_shared>> -> memref<1000000xf32, #tpu.memory_space<vmem_shared>>
      tpu.enqueue_indirect_dma source(%dma_start3A_167 : memref<1000000xf32, #tpu.memory_space<vmem_shared>>) target(%dma_start3A_162 : memref<128xf32, #tpu.memory_space<vmem>>) offsets(%dma_start3A_165 : memref<128xi32, #tpu.memory_space<vmem>>) semaphore(%arg11 : memref<!tpu.dma_semaphore, #tpu.memory_space<semaphore_mem>>)
      %scan3A_168 = arith.constant 2 : i32
      %scan3A_169 = arith.addi %scan3A_141, %scan3A_168 : i32
      %mul3A_170 = arith.constant 1 : i32
      %mul3A_171 = arith.muli %scan3A_169, %mul3A_170 : i32
      %add3A_172 = arith.constant 0 : i32
      %add3A_173 = arith.addi %add3A_172, %mul3A_171 : i32
      %dma_start3A_174 = arith.constant 0 : i32
      %dma_start3A_175 = tpu.memref_slice %arg8[%add3A_173, %dma_start3A_174] : memref<100x128xf32, #tpu.memory_space<vmem>> -> memref<1x128xf32, #tpu.memory_space<vmem>>
      %dma_start3A_176 = tpu.memref_squeeze %dma_start3A_175 : memref<1x128xf32, #tpu.memory_space<vmem>> -> memref<128xf32, #tpu.memory_space<vmem>>
      %dma_start3A_177 = arith.constant 0 : i32
      %dma_start3A_178 = tpu.memref_slice %arg6[%add3A_173, %dma_start3A_177] : memref<100x128xi32, #tpu.memory_space<vmem>> -> memref<1x128xi32, #tpu.memory_space<vmem>>
      %dma_start3A_179 = tpu.memref_squeeze %dma_start3A_178 : memref<1x128xi32, #tpu.memory_space<vmem>> -> memref<128xi32, #tpu.memory_space<vmem>>
      %dma_start3A_180 = arith.constant 0 : i32
      %dma_start3A_181 = tpu.memref_slice %arg5[%dma_start3A_180] : memref<1000000xf32, #tpu.memory_space<vmem_shared>> -> memref<1000000xf32, #tpu.memory_space<vmem_shared>>
      tpu.enqueue_indirect_dma source(%dma_start3A_181 : memref<1000000xf32, #tpu.memory_space<vmem_shared>>) target(%dma_start3A_176 : memref<128xf32, #tpu.memory_space<vmem>>) offsets(%dma_start3A_179 : memref<128xi32, #tpu.memory_space<vmem>>) semaphore(%arg11 : memref<!tpu.dma_semaphore, #tpu.memory_space<semaphore_mem>>)
      %scan3A_182 = arith.constant 3 : i32
      %scan3A_183 = arith.addi %scan3A_141, %scan3A_182 : i32
      %mul3A_184 = arith.constant 1 : i32
      %mul3A_185 = arith.muli %scan3A_183, %mul3A_184 : i32
      %add3A_186 = arith.constant 0 : i32
      %add3A_187 = arith.addi %add3A_186, %mul3A_185 : i32
      %dma_start3A_188 = arith.constant 0 : i32
      %dma_start3A_189 = tpu.memref_slice %arg8[%add3A_187, %dma_start3A_188] : memref<100x128xf32, #tpu.memory_space<vmem>> -> memref<1x128xf32, #tpu.memory_space<vmem>>
      %dma_start3A_190 = tpu.memref_squeeze %dma_start3A_189 : memref<1x128xf32, #tpu.memory_space<vmem>> -> memref<128xf32, #tpu.memory_space<vmem>>
      %dma_start3A_191 = arith.constant 0 : i32
      %dma_start3A_192 = tpu.memref_slice %arg6[%add3A_187, %dma_start3A_191] : memref<100x128xi32, #tpu.memory_space<vmem>> -> memref<1x128xi32, #tpu.memory_space<vmem>>
      %dma_start3A_193 = tpu.memref_squeeze %dma_start3A_192 : memref<1x128xi32, #tpu.memory_space<vmem>> -> memref<128xi32, #tpu.memory_space<vmem>>
      %dma_start3A_194 = arith.constant 0 : i32
      %dma_start3A_195 = tpu.memref_slice %arg5[%dma_start3A_194] : memref<1000000xf32, #tpu.memory_space<vmem_shared>> -> memref<1000000xf32, #tpu.memory_space<vmem_shared>>
      tpu.enqueue_indirect_dma source(%dma_start3A_195 : memref<1000000xf32, #tpu.memory_space<vmem_shared>>) target(%dma_start3A_190 : memref<128xf32, #tpu.memory_space<vmem>>) offsets(%dma_start3A_193 : memref<128xi32, #tpu.memory_space<vmem>>) semaphore(%arg11 : memref<!tpu.dma_semaphore, #tpu.memory_space<semaphore_mem>>)
    }
    %scan3A_23 = arith.constant 100 : i32
    "tpu.trace_stop"() : () -> ()
    "tpu.trace_start"() <{level = 10 : i32, message = "idx_wait"}> : () -> ()
    %add3A_24 = arith.constant 128 : i32
    %add3A_25 = arith.addi %mul3A_2, %add3A_24 : i32
    %dma_wait3A_26 = arith.constant 0 : i32
    %dma_wait3A_27 = tpu.memref_slice %arg3[%dma_wait3A_26, %add3A_25] : memref<100x16384xi32, #tpu.memory_space<hbm>> -> memref<100x128xi32, #tpu.memory_space<hbm>>
    %dma_wait3A_28 = arith.constant 0 : i32
    %dma_wait3A_29 = tpu.memref_slice %arg3[%dma_wait3A_28, %add3A_25] : memref<100x16384xi32, #tpu.memory_space<hbm>> -> memref<100x128xi32, #tpu.memory_space<hbm>>
    tpu.wait_dma2 semaphore(%arg10 : memref<!tpu.dma_semaphore, #tpu.memory_space<semaphore_mem>>) src(%dma_wait3A_29 : memref<100x128xi32, #tpu.memory_space<hbm>>) dst(%arg7 : memref<100x128xi32, #tpu.memory_space<vmem>>)
    "tpu.trace_stop"() : () -> ()
    "tpu.trace_start"() <{level = 10 : i32, message = "drain"}> : () -> ()
    %add3A_30 = arith.constant 0 : i32
    %add3A_31 = arith.addi %mul3A_2, %add3A_30 : i32
    %dma_wait3A_32 = arith.constant 0 : i32
    %dma_wait3A_33 = tpu.memref_slice %arg4[%dma_wait3A_32, %add3A_31] : memref<100x16384xf32, #tpu.memory_space<hbm>> -> memref<100x128xf32, #tpu.memory_space<hbm>>
    %dma_wait3A_34 = arith.constant 0 : i32
    %dma_wait3A_35 = tpu.memref_slice %arg4[%dma_wait3A_34, %add3A_31] : memref<100x16384xf32, #tpu.memory_space<hbm>> -> memref<100x128xf32, #tpu.memory_space<hbm>>
    tpu.wait_dma2 semaphore(%arg11 : memref<!tpu.dma_semaphore, #tpu.memory_space<semaphore_mem>>) src(%dma_wait3A_35 : memref<100x128xf32, #tpu.memory_space<hbm>>) dst(%arg8 : memref<100x128xf32, #tpu.memory_space<vmem>>)
    "tpu.trace_stop"() : () -> ()
    %add3A_36 = arith.constant 0 : i32
    %add3A_37 = arith.addi %mul3A_2, %add3A_36 : i32
    %dma_start3A_38 = arith.constant 0 : i32
    %dma_start3A_39 = tpu.memref_slice %arg4[%dma_start3A_38, %add3A_37] : memref<100x16384xf32, #tpu.memory_space<hbm>> -> memref<100x128xf32, #tpu.memory_space<hbm>>
    %dma_start3A_40 = arith.constant 0 : i32
    %dma_start3A_41 = tpu.memref_slice %arg4[%dma_start3A_40, %add3A_37] : memref<100x16384xf32, #tpu.memory_space<hbm>> -> memref<100x128xf32, #tpu.memory_space<hbm>>
    tpu.enqueue_dma source(%arg8 : memref<100x128xf32, #tpu.memory_space<vmem>>) target(%dma_start3A_41 : memref<100x128xf32, #tpu.memory_space<hbm>>) target_semaphore(%arg13 : memref<!tpu.dma_semaphore, #tpu.memory_space<semaphore_mem>>)
    %add3A_42 = arith.constant 256 : i32
    %add3A_43 = arith.addi %mul3A_2, %add3A_42 : i32
    %dma_start3A_44 = arith.constant 0 : i32
    %dma_start3A_45 = tpu.memref_slice %arg3[%dma_start3A_44, %add3A_43] : memref<100x16384xi32, #tpu.memory_space<hbm>> -> memref<100x128xi32, #tpu.memory_space<hbm>>
    %dma_start3A_46 = arith.constant 0 : i32
    %dma_start3A_47 = tpu.memref_slice %arg3[%dma_start3A_46, %add3A_43] : memref<100x16384xi32, #tpu.memory_space<hbm>> -> memref<100x128xi32, #tpu.memory_space<hbm>>
    tpu.enqueue_dma source(%dma_start3A_47 : memref<100x128xi32, #tpu.memory_space<hbm>>) target(%arg6 : memref<100x128xi32, #tpu.memory_space<vmem>>) target_semaphore(%arg10 : memref<!tpu.dma_semaphore, #tpu.memory_space<semaphore_mem>>)
    "tpu.trace_start"() <{level = 10 : i32, message = "fire"}> : () -> ()
    %scan3A_48 = arith.constant 0 : i32
    %scan3A_49 = arith.constant 100 : i32
    %scan3A_50 = arith.addi %scan3A_48, %scan3A_49 : i32
    %scan3A_51 = arith.constant 4 : i32
    scf.for %scan3A_141 = %scan3A_48 to %scan3A_50 step %scan3A_51  : i32 {
      %mul3A_142 = arith.constant 1 : i32
      %mul3A_143 = arith.muli %scan3A_141, %mul3A_142 : i32
      %add3A_144 = arith.constant 0 : i32
      %add3A_145 = arith.addi %add3A_144, %mul3A_143 : i32
      %dma_start3A_146 = arith.constant 0 : i32
      %dma_start3A_147 = tpu.memref_slice %arg9[%add3A_145, %dma_start3A_146] : memref<100x128xf32, #tpu.memory_space<vmem>> -> memref<1x128xf32, #tpu.memory_space<vmem>>
      %dma_start3A_148 = tpu.memref_squeeze %dma_start3A_147 : memref<1x128xf32, #tpu.memory_space<vmem>> -> memref<128xf32, #tpu.memory_space<vmem>>
      %dma_start3A_149 = arith.constant 0 : i32
      %dma_start3A_150 = tpu.memref_slice %arg7[%add3A_145, %dma_start3A_149] : memref<100x128xi32, #tpu.memory_space<vmem>> -> memref<1x128xi32, #tpu.memory_space<vmem>>
      %dma_start3A_151 = tpu.memref_squeeze %dma_start3A_150 : memref<1x128xi32, #tpu.memory_space<vmem>> -> memref<128xi32, #tpu.memory_space<vmem>>
      %dma_start3A_152 = arith.constant 0 : i32
      %dma_start3A_153 = tpu.memref_slice %arg5[%dma_start3A_152] : memref<1000000xf32, #tpu.memory_space<vmem_shared>> -> memref<1000000xf32, #tpu.memory_space<vmem_shared>>
      tpu.enqueue_indirect_dma source(%dma_start3A_153 : memref<1000000xf32, #tpu.memory_space<vmem_shared>>) target(%dma_start3A_148 : memref<128xf32, #tpu.memory_space<vmem>>) offsets(%dma_start3A_151 : memref<128xi32, #tpu.memory_space<vmem>>) semaphore(%arg12 : memref<!tpu.dma_semaphore, #tpu.memory_space<semaphore_mem>>)
      %scan3A_154 = arith.constant 1 : i32
      %scan3A_155 = arith.addi %scan3A_141, %scan3A_154 : i32
      %mul3A_156 = arith.constant 1 : i32
      %mul3A_157 = arith.muli %scan3A_155, %mul3A_156 : i32
      %add3A_158 = arith.constant 0 : i32
      %add3A_159 = arith.addi %add3A_158, %mul3A_157 : i32
      %dma_start3A_160 = arith.constant 0 : i32
      %dma_start3A_161 = tpu.memref_slice %arg9[%add3A_159, %dma_start3A_160] : memref<100x128xf32, #tpu.memory_space<vmem>> -> memref<1x128xf32, #tpu.memory_space<vmem>>
      %dma_start3A_162 = tpu.memref_squeeze %dma_start3A_161 : memref<1x128xf32, #tpu.memory_space<vmem>> -> memref<128xf32, #tpu.memory_space<vmem>>
      %dma_start3A_163 = arith.constant 0 : i32
      %dma_start3A_164 = tpu.memref_slice %arg7[%add3A_159, %dma_start3A_163] : memref<100x128xi32, #tpu.memory_space<vmem>> -> memref<1x128xi32, #tpu.memory_space<vmem>>
      %dma_start3A_165 = tpu.memref_squeeze %dma_start3A_164 : memref<1x128xi32, #tpu.memory_space<vmem>> -> memref<128xi32, #tpu.memory_space<vmem>>
      %dma_start3A_166 = arith.constant 0 : i32
      %dma_start3A_167 = tpu.memref_slice %arg5[%dma_start3A_166] : memref<1000000xf32, #tpu.memory_space<vmem_shared>> -> memref<1000000xf32, #tpu.memory_space<vmem_shared>>
      tpu.enqueue_indirect_dma source(%dma_start3A_167 : memref<1000000xf32, #tpu.memory_space<vmem_shared>>) target(%dma_start3A_162 : memref<128xf32, #tpu.memory_space<vmem>>) offsets(%dma_start3A_165 : memref<128xi32, #tpu.memory_space<vmem>>) semaphore(%arg12 : memref<!tpu.dma_semaphore, #tpu.memory_space<semaphore_mem>>)
      %scan3A_168 = arith.constant 2 : i32
      %scan3A_169 = arith.addi %scan3A_141, %scan3A_168 : i32
      %mul3A_170 = arith.constant 1 : i32
      %mul3A_171 = arith.muli %scan3A_169, %mul3A_170 : i32
      %add3A_172 = arith.constant 0 : i32
      %add3A_173 = arith.addi %add3A_172, %mul3A_171 : i32
      %dma_start3A_174 = arith.constant 0 : i32
      %dma_start3A_175 = tpu.memref_slice %arg9[%add3A_173, %dma_start3A_174] : memref<100x128xf32, #tpu.memory_space<vmem>> -> memref<1x128xf32, #tpu.memory_space<vmem>>
      %dma_start3A_176 = tpu.memref_squeeze %dma_start3A_175 : memref<1x128xf32, #tpu.memory_space<vmem>> -> memref<128xf32, #tpu.memory_space<vmem>>
      %dma_start3A_177 = arith.constant 0 : i32
      %dma_start3A_178 = tpu.memref_slice %arg7[%add3A_173, %dma_start3A_177] : memref<100x128xi32, #tpu.memory_space<vmem>> -> memref<1x128xi32, #tpu.memory_space<vmem>>
      %dma_start3A_179 = tpu.memref_squeeze %dma_start3A_178 : memref<1x128xi32, #tpu.memory_space<vmem>> -> memref<128xi32, #tpu.memory_space<vmem>>
      %dma_start3A_180 = arith.constant 0 : i32
      %dma_start3A_181 = tpu.memref_slice %arg5[%dma_start3A_180] : memref<1000000xf32, #tpu.memory_space<vmem_shared>> -> memref<1000000xf32, #tpu.memory_space<vmem_shared>>
      tpu.enqueue_indirect_dma source(%dma_start3A_181 : memref<1000000xf32, #tpu.memory_space<vmem_shared>>) target(%dma_start3A_176 : memref<128xf32, #tpu.memory_space<vmem>>) offsets(%dma_start3A_179 : memref<128xi32, #tpu.memory_space<vmem>>) semaphore(%arg12 : memref<!tpu.dma_semaphore, #tpu.memory_space<semaphore_mem>>)
      %scan3A_182 = arith.constant 3 : i32
      %scan3A_183 = arith.addi %scan3A_141, %scan3A_182 : i32
      %mul3A_184 = arith.constant 1 : i32
      %mul3A_185 = arith.muli %scan3A_183, %mul3A_184 : i32
      %add3A_186 = arith.constant 0 : i32
      %add3A_187 = arith.addi %add3A_186, %mul3A_185 : i32
      %dma_start3A_188 = arith.constant 0 : i32
      %dma_start3A_189 = tpu.memref_slice %arg9[%add3A_187, %dma_start3A_188] : memref<100x128xf32, #tpu.memory_space<vmem>> -> memref<1x128xf32, #tpu.memory_space<vmem>>
      %dma_start3A_190 = tpu.memref_squeeze %dma_start3A_189 : memref<1x128xf32, #tpu.memory_space<vmem>> -> memref<128xf32, #tpu.memory_space<vmem>>
      %dma_start3A_191 = arith.constant 0 : i32
      %dma_start3A_192 = tpu.memref_slice %arg7[%add3A_187, %dma_start3A_191] : memref<100x128xi32, #tpu.memory_space<vmem>> -> memref<1x128xi32, #tpu.memory_space<vmem>>
      %dma_start3A_193 = tpu.memref_squeeze %dma_start3A_192 : memref<1x128xi32, #tpu.memory_space<vmem>> -> memref<128xi32, #tpu.memory_space<vmem>>
      %dma_start3A_194 = arith.constant 0 : i32
      %dma_start3A_195 = tpu.memref_slice %arg5[%dma_start3A_194] : memref<1000000xf32, #tpu.memory_space<vmem_shared>> -> memref<1000000xf32, #tpu.memory_space<vmem_shared>>
      tpu.enqueue_indirect_dma source(%dma_start3A_195 : memref<1000000xf32, #tpu.memory_space<vmem_shared>>) target(%dma_start3A_190 : memref<128xf32, #tpu.memory_space<vmem>>) offsets(%dma_start3A_193 : memref<128xi32, #tpu.memory_space<vmem>>) semaphore(%arg12 : memref<!tpu.dma_semaphore, #tpu.memory_space<semaphore_mem>>)
    }
    %scan3A_52 = arith.constant 100 : i32
    "tpu.trace_stop"() : () -> ()
    "tpu.trace_start"() <{level = 10 : i32, message = "idx_wait"}> : () -> ()
    %add3A_53 = arith.constant 256 : i32
    %add3A_54 = arith.addi %mul3A_2, %add3A_53 : i32
    %dma_wait3A_55 = arith.constant 0 : i32
    %dma_wait3A_56 = tpu.memref_slice %arg3[%dma_wait3A_55, %add3A_54] : memref<100x16384xi32, #tpu.memory_space<hbm>> -> memref<100x128xi32, #tpu.memory_space<hbm>>
    %dma_wait3A_57 = arith.constant 0 : i32
    %dma_wait3A_58 = tpu.memref_slice %arg3[%dma_wait3A_57, %add3A_54] : memref<100x16384xi32, #tpu.memory_space<hbm>> -> memref<100x128xi32, #tpu.memory_space<hbm>>
    tpu.wait_dma2 semaphore(%arg10 : memref<!tpu.dma_semaphore, #tpu.memory_space<semaphore_mem>>) src(%dma_wait3A_58 : memref<100x128xi32, #tpu.memory_space<hbm>>) dst(%arg6 : memref<100x128xi32, #tpu.memory_space<vmem>>)
    "tpu.trace_stop"() : () -> ()
    "tpu.trace_start"() <{level = 10 : i32, message = "store_wait"}> : () -> ()
    %add3A_59 = arith.constant 0 : i32
    %add3A_60 = arith.addi %mul3A_2, %add3A_59 : i32
    %dma_wait3A_61 = arith.constant 0 : i32
    %dma_wait3A_62 = tpu.memref_slice %arg4[%dma_wait3A_61, %add3A_60] : memref<100x16384xf32, #tpu.memory_space<hbm>> -> memref<100x128xf32, #tpu.memory_space<hbm>>
    %dma_wait3A_63 = arith.constant 0 : i32
    %dma_wait3A_64 = tpu.memref_slice %arg4[%dma_wait3A_63, %add3A_60] : memref<100x16384xf32, #tpu.memory_space<hbm>> -> memref<100x128xf32, #tpu.memory_space<hbm>>
    tpu.wait_dma2 semaphore(%arg13 : memref<!tpu.dma_semaphore, #tpu.memory_space<semaphore_mem>>) src(%arg8 : memref<100x128xf32, #tpu.memory_space<vmem>>) dst(%dma_wait3A_64 : memref<100x128xf32, #tpu.memory_space<hbm>>)
    "tpu.trace_stop"() : () -> ()
    "tpu.trace_start"() <{level = 10 : i32, message = "drain"}> : () -> ()
    %add3A_65 = arith.constant 128 : i32
    %add3A_66 = arith.addi %mul3A_2, %add3A_65 : i32
    %dma_wait3A_67 = arith.constant 0 : i32
    %dma_wait3A_68 = tpu.memref_slice %arg4[%dma_wait3A_67, %add3A_66] : memref<100x16384xf32, #tpu.memory_space<hbm>> -> memref<100x128xf32, #tpu.memory_space<hbm>>
    %dma_wait3A_69 = arith.constant 0 : i32
    %dma_wait3A_70 = tpu.memref_slice %arg4[%dma_wait3A_69, %add3A_66] : memref<100x16384xf32, #tpu.memory_space<hbm>> -> memref<100x128xf32, #tpu.memory_space<hbm>>
    tpu.wait_dma2 semaphore(%arg12 : memref<!tpu.dma_semaphore, #tpu.memory_space<semaphore_mem>>) src(%dma_wait3A_70 : memref<100x128xf32, #tpu.memory_space<hbm>>) dst(%arg9 : memref<100x128xf32, #tpu.memory_space<vmem>>)
    "tpu.trace_stop"() : () -> ()
    %add3A_71 = arith.constant 128 : i32
    %add3A_72 = arith.addi %mul3A_2, %add3A_71 : i32
    %dma_start3A_73 = arith.constant 0 : i32
    %dma_start3A_74 = tpu.memref_slice %arg4[%dma_start3A_73, %add3A_72] : memref<100x16384xf32, #tpu.memory_space<hbm>> -> memref<100x128xf32, #tpu.memory_space<hbm>>
    %dma_start3A_75 = arith.constant 0 : i32
    %dma_start3A_76 = tpu.memref_slice %arg4[%dma_start3A_75, %add3A_72] : memref<100x16384xf32, #tpu.memory_space<hbm>> -> memref<100x128xf32, #tpu.memory_space<hbm>>
    tpu.enqueue_dma source(%arg9 : memref<100x128xf32, #tpu.memory_space<vmem>>) target(%dma_start3A_76 : memref<100x128xf32, #tpu.memory_space<hbm>>) target_semaphore(%arg13 : memref<!tpu.dma_semaphore, #tpu.memory_space<semaphore_mem>>)
    %add3A_77 = arith.constant 384 : i32
    %add3A_78 = arith.addi %mul3A_2, %add3A_77 : i32
    %dma_start3A_79 = arith.constant 0 : i32
    %dma_start3A_80 = tpu.memref_slice %arg3[%dma_start3A_79, %add3A_78] : memref<100x16384xi32, #tpu.memory_space<hbm>> -> memref<100x128xi32, #tpu.memory_space<hbm>>
    %dma_start3A_81 = arith.constant 0 : i32
    %dma_start3A_82 = tpu.memref_slice %arg3[%dma_start3A_81, %add3A_78] : memref<100x16384xi32, #tpu.memory_space<hbm>> -> memref<100x128xi32, #tpu.memory_space<hbm>>
    tpu.enqueue_dma source(%dma_start3A_82 : memref<100x128xi32, #tpu.memory_space<hbm>>) target(%arg7 : memref<100x128xi32, #tpu.memory_space<vmem>>) target_semaphore(%arg10 : memref<!tpu.dma_semaphore, #tpu.memory_space<semaphore_mem>>)
    "tpu.trace_start"() <{level = 10 : i32, message = "fire"}> : () -> ()
    %scan3A_83 = arith.constant 0 : i32
    %scan3A_84 = arith.constant 100 : i32
    %scan3A_85 = arith.addi %scan3A_83, %scan3A_84 : i32
    %scan3A_86 = arith.constant 4 : i32
    scf.for %scan3A_141 = %scan3A_83 to %scan3A_85 step %scan3A_86  : i32 {
      %mul3A_142 = arith.constant 1 : i32
      %mul3A_143 = arith.muli %scan3A_141, %mul3A_142 : i32
      %add3A_144 = arith.constant 0 : i32
      %add3A_145 = arith.addi %add3A_144, %mul3A_143 : i32
      %dma_start3A_146 = arith.constant 0 : i32
      %dma_start3A_147 = tpu.memref_slice %arg8[%add3A_145, %dma_start3A_146] : memref<100x128xf32, #tpu.memory_space<vmem>> -> memref<1x128xf32, #tpu.memory_space<vmem>>
      %dma_start3A_148 = tpu.memref_squeeze %dma_start3A_147 : memref<1x128xf32, #tpu.memory_space<vmem>> -> memref<128xf32, #tpu.memory_space<vmem>>
      %dma_start3A_149 = arith.constant 0 : i32
      %dma_start3A_150 = tpu.memref_slice %arg6[%add3A_145, %dma_start3A_149] : memref<100x128xi32, #tpu.memory_space<vmem>> -> memref<1x128xi32, #tpu.memory_space<vmem>>
      %dma_start3A_151 = tpu.memref_squeeze %dma_start3A_150 : memref<1x128xi32, #tpu.memory_space<vmem>> -> memref<128xi32, #tpu.memory_space<vmem>>
      %dma_start3A_152 = arith.constant 0 : i32
      %dma_start3A_153 = tpu.memref_slice %arg5[%dma_start3A_152] : memref<1000000xf32, #tpu.memory_space<vmem_shared>> -> memref<1000000xf32, #tpu.memory_space<vmem_shared>>
      tpu.enqueue_indirect_dma source(%dma_start3A_153 : memref<1000000xf32, #tpu.memory_space<vmem_shared>>) target(%dma_start3A_148 : memref<128xf32, #tpu.memory_space<vmem>>) offsets(%dma_start3A_151 : memref<128xi32, #tpu.memory_space<vmem>>) semaphore(%arg11 : memref<!tpu.dma_semaphore, #tpu.memory_space<semaphore_mem>>)
      %scan3A_154 = arith.constant 1 : i32
      %scan3A_155 = arith.addi %scan3A_141, %scan3A_154 : i32
      %mul3A_156 = arith.constant 1 : i32
      %mul3A_157 = arith.muli %scan3A_155, %mul3A_156 : i32
      %add3A_158 = arith.constant 0 : i32
      %add3A_159 = arith.addi %add3A_158, %mul3A_157 : i32
      %dma_start3A_160 = arith.constant 0 : i32
      %dma_start3A_161 = tpu.memref_slice %arg8[%add3A_159, %dma_start3A_160] : memref<100x128xf32, #tpu.memory_space<vmem>> -> memref<1x128xf32, #tpu.memory_space<vmem>>
      %dma_start3A_162 = tpu.memref_squeeze %dma_start3A_161 : memref<1x128xf32, #tpu.memory_space<vmem>> -> memref<128xf32, #tpu.memory_space<vmem>>
      %dma_start3A_163 = arith.constant 0 : i32
      %dma_start3A_164 = tpu.memref_slice %arg6[%add3A_159, %dma_start3A_163] : memref<100x128xi32, #tpu.memory_space<vmem>> -> memref<1x128xi32, #tpu.memory_space<vmem>>
      %dma_start3A_165 = tpu.memref_squeeze %dma_start3A_164 : memref<1x128xi32, #tpu.memory_space<vmem>> -> memref<128xi32, #tpu.memory_space<vmem>>
      %dma_start3A_166 = arith.constant 0 : i32
      %dma_start3A_167 = tpu.memref_slice %arg5[%dma_start3A_166] : memref<1000000xf32, #tpu.memory_space<vmem_shared>> -> memref<1000000xf32, #tpu.memory_space<vmem_shared>>
      tpu.enqueue_indirect_dma source(%dma_start3A_167 : memref<1000000xf32, #tpu.memory_space<vmem_shared>>) target(%dma_start3A_162 : memref<128xf32, #tpu.memory_space<vmem>>) offsets(%dma_start3A_165 : memref<128xi32, #tpu.memory_space<vmem>>) semaphore(%arg11 : memref<!tpu.dma_semaphore, #tpu.memory_space<semaphore_mem>>)
      %scan3A_168 = arith.constant 2 : i32
      %scan3A_169 = arith.addi %scan3A_141, %scan3A_168 : i32
      %mul3A_170 = arith.constant 1 : i32
      %mul3A_171 = arith.muli %scan3A_169, %mul3A_170 : i32
      %add3A_172 = arith.constant 0 : i32
      %add3A_173 = arith.addi %add3A_172, %mul3A_171 : i32
      %dma_start3A_174 = arith.constant 0 : i32
      %dma_start3A_175 = tpu.memref_slice %arg8[%add3A_173, %dma_start3A_174] : memref<100x128xf32, #tpu.memory_space<vmem>> -> memref<1x128xf32, #tpu.memory_space<vmem>>
      %dma_start3A_176 = tpu.memref_squeeze %dma_start3A_175 : memref<1x128xf32, #tpu.memory_space<vmem>> -> memref<128xf32, #tpu.memory_space<vmem>>
      %dma_start3A_177 = arith.constant 0 : i32
      %dma_start3A_178 = tpu.memref_slice %arg6[%add3A_173, %dma_start3A_177] : memref<100x128xi32, #tpu.memory_space<vmem>> -> memref<1x128xi32, #tpu.memory_space<vmem>>
      %dma_start3A_179 = tpu.memref_squeeze %dma_start3A_178 : memref<1x128xi32, #tpu.memory_space<vmem>> -> memref<128xi32, #tpu.memory_space<vmem>>
      %dma_start3A_180 = arith.constant 0 : i32
      %dma_start3A_181 = tpu.memref_slice %arg5[%dma_start3A_180] : memref<1000000xf32, #tpu.memory_space<vmem_shared>> -> memref<1000000xf32, #tpu.memory_space<vmem_shared>>
      tpu.enqueue_indirect_dma source(%dma_start3A_181 : memref<1000000xf32, #tpu.memory_space<vmem_shared>>) target(%dma_start3A_176 : memref<128xf32, #tpu.memory_space<vmem>>) offsets(%dma_start3A_179 : memref<128xi32, #tpu.memory_space<vmem>>) semaphore(%arg11 : memref<!tpu.dma_semaphore, #tpu.memory_space<semaphore_mem>>)
      %scan3A_182 = arith.constant 3 : i32
      %scan3A_183 = arith.addi %scan3A_141, %scan3A_182 : i32
      %mul3A_184 = arith.constant 1 : i32
      %mul3A_185 = arith.muli %scan3A_183, %mul3A_184 : i32
      %add3A_186 = arith.constant 0 : i32
      %add3A_187 = arith.addi %add3A_186, %mul3A_185 : i32
      %dma_start3A_188 = arith.constant 0 : i32
      %dma_start3A_189 = tpu.memref_slice %arg8[%add3A_187, %dma_start3A_188] : memref<100x128xf32, #tpu.memory_space<vmem>> -> memref<1x128xf32, #tpu.memory_space<vmem>>
      %dma_start3A_190 = tpu.memref_squeeze %dma_start3A_189 : memref<1x128xf32, #tpu.memory_space<vmem>> -> memref<128xf32, #tpu.memory_space<vmem>>
      %dma_start3A_191 = arith.constant 0 : i32
      %dma_start3A_192 = tpu.memref_slice %arg6[%add3A_187, %dma_start3A_191] : memref<100x128xi32, #tpu.memory_space<vmem>> -> memref<1x128xi32, #tpu.memory_space<vmem>>
      %dma_start3A_193 = tpu.memref_squeeze %dma_start3A_192 : memref<1x128xi32, #tpu.memory_space<vmem>> -> memref<128xi32, #tpu.memory_space<vmem>>
      %dma_start3A_194 = arith.constant 0 : i32
      %dma_start3A_195 = tpu.memref_slice %arg5[%dma_start3A_194] : memref<1000000xf32, #tpu.memory_space<vmem_shared>> -> memref<1000000xf32, #tpu.memory_space<vmem_shared>>
      tpu.enqueue_indirect_dma source(%dma_start3A_195 : memref<1000000xf32, #tpu.memory_space<vmem_shared>>) target(%dma_start3A_190 : memref<128xf32, #tpu.memory_space<vmem>>) offsets(%dma_start3A_193 : memref<128xi32, #tpu.memory_space<vmem>>) semaphore(%arg11 : memref<!tpu.dma_semaphore, #tpu.memory_space<semaphore_mem>>)
    }
    %scan3A_87 = arith.constant 100 : i32
    "tpu.trace_stop"() : () -> ()
    "tpu.trace_start"() <{level = 10 : i32, message = "idx_wait"}> : () -> ()
    %add3A_88 = arith.constant 384 : i32
    %add3A_89 = arith.addi %mul3A_2, %add3A_88 : i32
    %dma_wait3A_90 = arith.constant 0 : i32
    %dma_wait3A_91 = tpu.memref_slice %arg3[%dma_wait3A_90, %add3A_89] : memref<100x16384xi32, #tpu.memory_space<hbm>> -> memref<100x128xi32, #tpu.memory_space<hbm>>
    %dma_wait3A_92 = arith.constant 0 : i32
    %dma_wait3A_93 = tpu.memref_slice %arg3[%dma_wait3A_92, %add3A_89] : memref<100x16384xi32, #tpu.memory_space<hbm>> -> memref<100x128xi32, #tpu.memory_space<hbm>>
    tpu.wait_dma2 semaphore(%arg10 : memref<!tpu.dma_semaphore, #tpu.memory_space<semaphore_mem>>) src(%dma_wait3A_93 : memref<100x128xi32, #tpu.memory_space<hbm>>) dst(%arg7 : memref<100x128xi32, #tpu.memory_space<vmem>>)
    "tpu.trace_stop"() : () -> ()
    "tpu.trace_start"() <{level = 10 : i32, message = "store_wait"}> : () -> ()
    %add3A_94 = arith.constant 128 : i32
    %add3A_95 = arith.addi %mul3A_2, %add3A_94 : i32
    %dma_wait3A_96 = arith.constant 0 : i32
    %dma_wait3A_97 = tpu.memref_slice %arg4[%dma_wait3A_96, %add3A_95] : memref<100x16384xf32, #tpu.memory_space<hbm>> -> memref<100x128xf32, #tpu.memory_space<hbm>>
    %dma_wait3A_98 = arith.constant 0 : i32
    %dma_wait3A_99 = tpu.memref_slice %arg4[%dma_wait3A_98, %add3A_95] : memref<100x16384xf32, #tpu.memory_space<hbm>> -> memref<100x128xf32, #tpu.memory_space<hbm>>
    tpu.wait_dma2 semaphore(%arg13 : memref<!tpu.dma_semaphore, #tpu.memory_space<semaphore_mem>>) src(%arg9 : memref<100x128xf32, #tpu.memory_space<vmem>>) dst(%dma_wait3A_99 : memref<100x128xf32, #tpu.memory_space<hbm>>)
    "tpu.trace_stop"() : () -> ()
    "tpu.trace_start"() <{level = 10 : i32, message = "drain"}> : () -> ()
    %add3A_100 = arith.constant 256 : i32
    %add3A_101 = arith.addi %mul3A_2, %add3A_100 : i32
    %dma_wait3A_102 = arith.constant 0 : i32
    %dma_wait3A_103 = tpu.memref_slice %arg4[%dma_wait3A_102, %add3A_101] : memref<100x16384xf32, #tpu.memory_space<hbm>> -> memref<100x128xf32, #tpu.memory_space<hbm>>
    %dma_wait3A_104 = arith.constant 0 : i32
    %dma_wait3A_105 = tpu.memref_slice %arg4[%dma_wait3A_104, %add3A_101] : memref<100x16384xf32, #tpu.memory_space<hbm>> -> memref<100x128xf32, #tpu.memory_space<hbm>>
    tpu.wait_dma2 semaphore(%arg11 : memref<!tpu.dma_semaphore, #tpu.memory_space<semaphore_mem>>) src(%dma_wait3A_105 : memref<100x128xf32, #tpu.memory_space<hbm>>) dst(%arg8 : memref<100x128xf32, #tpu.memory_space<vmem>>)
    "tpu.trace_stop"() : () -> ()
    %add3A_106 = arith.constant 256 : i32
    %add3A_107 = arith.addi %mul3A_2, %add3A_106 : i32
    %dma_start3A_108 = arith.constant 0 : i32
    %dma_start3A_109 = tpu.memref_slice %arg4[%dma_start3A_108, %add3A_107] : memref<100x16384xf32, #tpu.memory_space<hbm>> -> memref<100x128xf32, #tpu.memory_space<hbm>>
    %dma_start3A_110 = arith.constant 0 : i32
    %dma_start3A_111 = tpu.memref_slice %arg4[%dma_start3A_110, %add3A_107] : memref<100x16384xf32, #tpu.memory_space<hbm>> -> memref<100x128xf32, #tpu.memory_space<hbm>>
    tpu.enqueue_dma source(%arg8 : memref<100x128xf32, #tpu.memory_space<vmem>>) target(%dma_start3A_111 : memref<100x128xf32, #tpu.memory_space<hbm>>) target_semaphore(%arg13 : memref<!tpu.dma_semaphore, #tpu.memory_space<semaphore_mem>>)
    "tpu.trace_start"() <{level = 10 : i32, message = "fire"}> : () -> ()
    %scan3A_112 = arith.constant 0 : i32
    %scan3A_113 = arith.constant 100 : i32
    %scan3A_114 = arith.addi %scan3A_112, %scan3A_113 : i32
    %scan3A_115 = arith.constant 4 : i32
    scf.for %scan3A_141 = %scan3A_112 to %scan3A_114 step %scan3A_115  : i32 {
      %mul3A_142 = arith.constant 1 : i32
      %mul3A_143 = arith.muli %scan3A_141, %mul3A_142 : i32
      %add3A_144 = arith.constant 0 : i32
      %add3A_145 = arith.addi %add3A_144, %mul3A_143 : i32
      %dma_start3A_146 = arith.constant 0 : i32
      %dma_start3A_147 = tpu.memref_slice %arg9[%add3A_145, %dma_start3A_146] : memref<100x128xf32, #tpu.memory_space<vmem>> -> memref<1x128xf32, #tpu.memory_space<vmem>>
      %dma_start3A_148 = tpu.memref_squeeze %dma_start3A_147 : memref<1x128xf32, #tpu.memory_space<vmem>> -> memref<128xf32, #tpu.memory_space<vmem>>
      %dma_start3A_149 = arith.constant 0 : i32
      %dma_start3A_150 = tpu.memref_slice %arg7[%add3A_145, %dma_start3A_149] : memref<100x128xi32, #tpu.memory_space<vmem>> -> memref<1x128xi32, #tpu.memory_space<vmem>>
      %dma_start3A_151 = tpu.memref_squeeze %dma_start3A_150 : memref<1x128xi32, #tpu.memory_space<vmem>> -> memref<128xi32, #tpu.memory_space<vmem>>
      %dma_start3A_152 = arith.constant 0 : i32
      %dma_start3A_153 = tpu.memref_slice %arg5[%dma_start3A_152] : memref<1000000xf32, #tpu.memory_space<vmem_shared>> -> memref<1000000xf32, #tpu.memory_space<vmem_shared>>
      tpu.enqueue_indirect_dma source(%dma_start3A_153 : memref<1000000xf32, #tpu.memory_space<vmem_shared>>) target(%dma_start3A_148 : memref<128xf32, #tpu.memory_space<vmem>>) offsets(%dma_start3A_151 : memref<128xi32, #tpu.memory_space<vmem>>) semaphore(%arg12 : memref<!tpu.dma_semaphore, #tpu.memory_space<semaphore_mem>>)
      %scan3A_154 = arith.constant 1 : i32
      %scan3A_155 = arith.addi %scan3A_141, %scan3A_154 : i32
      %mul3A_156 = arith.constant 1 : i32
      %mul3A_157 = arith.muli %scan3A_155, %mul3A_156 : i32
      %add3A_158 = arith.constant 0 : i32
      %add3A_159 = arith.addi %add3A_158, %mul3A_157 : i32
      %dma_start3A_160 = arith.constant 0 : i32
      %dma_start3A_161 = tpu.memref_slice %arg9[%add3A_159, %dma_start3A_160] : memref<100x128xf32, #tpu.memory_space<vmem>> -> memref<1x128xf32, #tpu.memory_space<vmem>>
      %dma_start3A_162 = tpu.memref_squeeze %dma_start3A_161 : memref<1x128xf32, #tpu.memory_space<vmem>> -> memref<128xf32, #tpu.memory_space<vmem>>
      %dma_start3A_163 = arith.constant 0 : i32
      %dma_start3A_164 = tpu.memref_slice %arg7[%add3A_159, %dma_start3A_163] : memref<100x128xi32, #tpu.memory_space<vmem>> -> memref<1x128xi32, #tpu.memory_space<vmem>>
      %dma_start3A_165 = tpu.memref_squeeze %dma_start3A_164 : memref<1x128xi32, #tpu.memory_space<vmem>> -> memref<128xi32, #tpu.memory_space<vmem>>
      %dma_start3A_166 = arith.constant 0 : i32
      %dma_start3A_167 = tpu.memref_slice %arg5[%dma_start3A_166] : memref<1000000xf32, #tpu.memory_space<vmem_shared>> -> memref<1000000xf32, #tpu.memory_space<vmem_shared>>
      tpu.enqueue_indirect_dma source(%dma_start3A_167 : memref<1000000xf32, #tpu.memory_space<vmem_shared>>) target(%dma_start3A_162 : memref<128xf32, #tpu.memory_space<vmem>>) offsets(%dma_start3A_165 : memref<128xi32, #tpu.memory_space<vmem>>) semaphore(%arg12 : memref<!tpu.dma_semaphore, #tpu.memory_space<semaphore_mem>>)
      %scan3A_168 = arith.constant 2 : i32
      %scan3A_169 = arith.addi %scan3A_141, %scan3A_168 : i32
      %mul3A_170 = arith.constant 1 : i32
      %mul3A_171 = arith.muli %scan3A_169, %mul3A_170 : i32
      %add3A_172 = arith.constant 0 : i32
      %add3A_173 = arith.addi %add3A_172, %mul3A_171 : i32
      %dma_start3A_174 = arith.constant 0 : i32
      %dma_start3A_175 = tpu.memref_slice %arg9[%add3A_173, %dma_start3A_174] : memref<100x128xf32, #tpu.memory_space<vmem>> -> memref<1x128xf32, #tpu.memory_space<vmem>>
      %dma_start3A_176 = tpu.memref_squeeze %dma_start3A_175 : memref<1x128xf32, #tpu.memory_space<vmem>> -> memref<128xf32, #tpu.memory_space<vmem>>
      %dma_start3A_177 = arith.constant 0 : i32
      %dma_start3A_178 = tpu.memref_slice %arg7[%add3A_173, %dma_start3A_177] : memref<100x128xi32, #tpu.memory_space<vmem>> -> memref<1x128xi32, #tpu.memory_space<vmem>>
      %dma_start3A_179 = tpu.memref_squeeze %dma_start3A_178 : memref<1x128xi32, #tpu.memory_space<vmem>> -> memref<128xi32, #tpu.memory_space<vmem>>
      %dma_start3A_180 = arith.constant 0 : i32
      %dma_start3A_181 = tpu.memref_slice %arg5[%dma_start3A_180] : memref<1000000xf32, #tpu.memory_space<vmem_shared>> -> memref<1000000xf32, #tpu.memory_space<vmem_shared>>
      tpu.enqueue_indirect_dma source(%dma_start3A_181 : memref<1000000xf32, #tpu.memory_space<vmem_shared>>) target(%dma_start3A_176 : memref<128xf32, #tpu.memory_space<vmem>>) offsets(%dma_start3A_179 : memref<128xi32, #tpu.memory_space<vmem>>) semaphore(%arg12 : memref<!tpu.dma_semaphore, #tpu.memory_space<semaphore_mem>>)
      %scan3A_182 = arith.constant 3 : i32
      %scan3A_183 = arith.addi %scan3A_141, %scan3A_182 : i32
      %mul3A_184 = arith.constant 1 : i32
      %mul3A_185 = arith.muli %scan3A_183, %mul3A_184 : i32
      %add3A_186 = arith.constant 0 : i32
      %add3A_187 = arith.addi %add3A_186, %mul3A_185 : i32
      %dma_start3A_188 = arith.constant 0 : i32
      %dma_start3A_189 = tpu.memref_slice %arg9[%add3A_187, %dma_start3A_188] : memref<100x128xf32, #tpu.memory_space<vmem>> -> memref<1x128xf32, #tpu.memory_space<vmem>>
      %dma_start3A_190 = tpu.memref_squeeze %dma_start3A_189 : memref<1x128xf32, #tpu.memory_space<vmem>> -> memref<128xf32, #tpu.memory_space<vmem>>
      %dma_start3A_191 = arith.constant 0 : i32
      %dma_start3A_192 = tpu.memref_slice %arg7[%add3A_187, %dma_start3A_191] : memref<100x128xi32, #tpu.memory_space<vmem>> -> memref<1x128xi32, #tpu.memory_space<vmem>>
      %dma_start3A_193 = tpu.memref_squeeze %dma_start3A_192 : memref<1x128xi32, #tpu.memory_space<vmem>> -> memref<128xi32, #tpu.memory_space<vmem>>
      %dma_start3A_194 = arith.constant 0 : i32
      %dma_start3A_195 = tpu.memref_slice %arg5[%dma_start3A_194] : memref<1000000xf32, #tpu.memory_space<vmem_shared>> -> memref<1000000xf32, #tpu.memory_space<vmem_shared>>
      tpu.enqueue_indirect_dma source(%dma_start3A_195 : memref<1000000xf32, #tpu.memory_space<vmem_shared>>) target(%dma_start3A_190 : memref<128xf32, #tpu.memory_space<vmem>>) offsets(%dma_start3A_193 : memref<128xi32, #tpu.memory_space<vmem>>) semaphore(%arg12 : memref<!tpu.dma_semaphore, #tpu.memory_space<semaphore_mem>>)
    }
    %scan3A_116 = arith.constant 100 : i32
    "tpu.trace_stop"() : () -> ()
    "tpu.trace_start"() <{level = 10 : i32, message = "drain"}> : () -> ()
    %add3A_117 = arith.constant 384 : i32
    %add3A_118 = arith.addi %mul3A_2, %add3A_117 : i32
    %dma_wait3A_119 = arith.constant 0 : i32
    %dma_wait3A_120 = tpu.memref_slice %arg4[%dma_wait3A_119, %add3A_118] : memref<100x16384xf32, #tpu.memory_space<hbm>> -> memref<100x128xf32, #tpu.memory_space<hbm>>
    %dma_wait3A_121 = arith.constant 0 : i32
    %dma_wait3A_122 = tpu.memref_slice %arg4[%dma_wait3A_121, %add3A_118] : memref<100x16384xf32, #tpu.memory_space<hbm>> -> memref<100x128xf32, #tpu.memory_space<hbm>>
    tpu.wait_dma2 semaphore(%arg12 : memref<!tpu.dma_semaphore, #tpu.memory_space<semaphore_mem>>) src(%dma_wait3A_122 : memref<100x128xf32, #tpu.memory_space<hbm>>) dst(%arg9 : memref<100x128xf32, #tpu.memory_space<vmem>>)
    "tpu.trace_stop"() : () -> ()
    %add3A_123 = arith.constant 384 : i32
    %add3A_124 = arith.addi %mul3A_2, %add3A_123 : i32
    %dma_start3A_125 = arith.constant 0 : i32
    %dma_start3A_126 = tpu.memref_slice %arg4[%dma_start3A_125, %add3A_124] : memref<100x16384xf32, #tpu.memory_space<hbm>> -> memref<100x128xf32, #tpu.memory_space<hbm>>
    %dma_start3A_127 = arith.constant 0 : i32
    %dma_start3A_128 = tpu.memref_slice %arg4[%dma_start3A_127, %add3A_124] : memref<100x16384xf32, #tpu.memory_space<hbm>> -> memref<100x128xf32, #tpu.memory_space<hbm>>
    tpu.enqueue_dma source(%arg9 : memref<100x128xf32, #tpu.memory_space<vmem>>) target(%dma_start3A_128 : memref<100x128xf32, #tpu.memory_space<hbm>>) target_semaphore(%arg13 : memref<!tpu.dma_semaphore, #tpu.memory_space<semaphore_mem>>)
    "tpu.trace_start"() <{level = 10 : i32, message = "tail_waits"}> : () -> ()
    %add3A_129 = arith.constant 256 : i32
    %add3A_130 = arith.addi %mul3A_2, %add3A_129 : i32
    %dma_wait3A_131 = arith.constant 0 : i32
    %dma_wait3A_132 = tpu.memref_slice %arg4[%dma_wait3A_131, %add3A_130] : memref<100x16384xf32, #tpu.memory_space<hbm>> -> memref<100x128xf32, #tpu.memory_space<hbm>>
    %dma_wait3A_133 = arith.constant 0 : i32
    %dma_wait3A_134 = tpu.memref_slice %arg4[%dma_wait3A_133, %add3A_130] : memref<100x16384xf32, #tpu.memory_space<hbm>> -> memref<100x128xf32, #tpu.memory_space<hbm>>
    tpu.wait_dma2 semaphore(%arg13 : memref<!tpu.dma_semaphore, #tpu.memory_space<semaphore_mem>>) src(%arg8 : memref<100x128xf32, #tpu.memory_space<vmem>>) dst(%dma_wait3A_134 : memref<100x128xf32, #tpu.memory_space<hbm>>)
    %add3A_135 = arith.constant 384 : i32
    %add3A_136 = arith.addi %mul3A_2, %add3A_135 : i32
    %dma_wait3A_137 = arith.constant 0 : i32
    %dma_wait3A_138 = tpu.memref_slice %arg4[%dma_wait3A_137, %add3A_136] : memref<100x16384xf32, #tpu.memory_space<hbm>> -> memref<100x128xf32, #tpu.memory_space<hbm>>
    %dma_wait3A_139 = arith.constant 0 : i32
    %dma_wait3A_140 = tpu.memref_slice %arg4[%dma_wait3A_139, %add3A_136] : memref<100x16384xf32, #tpu.memory_space<hbm>> -> memref<100x128xf32, #tpu.memory_space<hbm>>
    tpu.wait_dma2 semaphore(%arg13 : memref<!tpu.dma_semaphore, #tpu.memory_space<semaphore_mem>>) src(%arg9 : memref<100x128xf32, #tpu.memory_space<vmem>>) dst(%dma_wait3A_140 : memref<100x128xf32, #tpu.memory_space<hbm>>)
    "tpu.trace_stop"() : () -> ()
    return
  }
}

</mosaic_0001>

<sc_bundles>
// kernel: _sc_gather.3.cloned.1.call-start
scs
__scs_entry_jumppad:
0x0: {  	(pc) =	sbr.rel $0x88, $3  }
0x1: {  	(tag) =	ssettag $0x0;
	lr =	simm.s32 $0x1  }
0x2: {  	[smem:$0x3F9F] =	sst lr;
	_ =	strace $0xD0000000  }
0x3: {  	_ = 	snop  }
0x4: {  	_ = 	snop  }
0x5: {  	_ = 	snop  }
0x6: {  	_ = 	snop  }
0x7: {  	_ = 	snop  }
__scs_overlays_trampoline_lowered:
0x8: {  	[smem:$0x3FAE] =	sst s0  }
0x9: {  	[smem:$0x3FAF] =	sst s1  }
0xa: {  	[smem:$0x3FB0] =	sst s2  }
0xb: {  	[smem:$0x3FB1] =	sst s3  }
0xc: {  	[smem:$0x3FB2] =	sst s4  }
0xd: {  	[smem:$0x3FB3] =	sst s5  }
0xe: {  	[smem:$0x3FB4] =	sst s6  }
0xf: {  	[smem:$0x3FB5] =	sst s7  }
0x10: {  	[smem:$0x3FB6] =	sst s8  }
0x11: {  	[smem:$0x3FB7] =	sst s9;
	s0 =	simm.s32 @!p0 $0x0  }
0x12: {  	s1 =	sld [smem:$0x3F9D];
	s0 =	simm.s32 @p0 $0x1  }
0x13: {  	[smem:$0x3FB8] =	sst s0;
	s0 =	simm.s32 @!p1 $0x0  }
0x14: {  	s2 =	sld [smem:$0x3F9C];
	s0 =	simm.s32 @p1 $0x1  }
0x15: {  	[smem:$0x3FB9] =	sst s0;
	s0 =	simm.s32 @!p2 $0x0  }
0x16: {  	s3 =	sld [smem:$0x3FDB];
	s0 =	simm.s32 @p2 $0x1  }
0x17: {  	s4 =	simm.s32 $0x1BF5;
	[smem:$0x3FBB] =	sst s0  }
0x18: {  	s0 =	sld [smem:$0x3F9E];
	_ =	swait.ge [sflag:s4], $0x0  }
0x19: {  	s7 =	sld [smem:$0x3F9F]  }
0x1a: {  	s8 =	sadd.s32 $0xFFFFE003, lr  }
0x1b: {  	s9 =	sadd.s32 $0xFFFFFEF7, lr;
	s5 =	simm.s32 $0xFFFFFFFF;
	p2 =	slt.u32 s8, $0xFFFFF086  }
0x1c: {  	p1 =	slt.u32 s9, $0xF7A;
	s5 =	simm.s32 @!p2 $0x0  }
0x1d: {  	s5 =	simm.s32 @p1 $0x1;
	p0 =	seq.s32 s7, s2  }
0x1e: {  	s7 =	smul.u32 @!p0 $0xF7A, s2;
	p2 =	seq.s32 @!p0 s5, $0x0  }
0x1f: {  	s9 =	smul.u32 $0xF7A, s1;
	s8 =	simm.s32 @!p0 $0x1BF5;
	p2 =	por !p2, p0  }
0x20: {  	[sflag:s8] =	ssyncset.s32 @!p0 $0xFFFFF086;
	s6 =	sadd.s32 @!p0 s3, s7;
	s7 =	simm.s32 @!p0 $0x108  }
0x21: {  	s3 =	sadd.s32 s3, s9;
	s6 =	sadd.s32 @!p0 $0x88, s6;
	s7 =	simm.s32 @p2 $0x1082  }
0x22: {  	[simem:s7], [sflag:s8] =	dma.local @!p0 [hbm:s6], $0xF7A  }
0x23: {  	s9 =	sor.u32 $0xD0000000, s2;
	s6 =	simm.s32 $0x108;
	_ =	swait.ge @!p0 [sflag:s8], $0x0  }
0x24: {  	s3 =	sadd.s32 $0x88, s3;
	s6 =	simm.s32 @!p1 $0x1082;
	[sflag:s4] =	ssyncset.s32 $0xFFFFF086  }
0x25: {  	[simem:s6], [sflag:s4] =	dma.local [hbm:s3], $0xF7A  }
0x26: {  	[smem:$0x3F9F] =	sst s1;
	(tag) =	ssettag s2;
	_ =	strace s9  }
0x27: {  	s1 =	sld [smem:$0x3FAF]  }
0x28: {  	s2 =	sld [smem:$0x3FB0]  }
0x29: {  	s4 =	sld [smem:$0x3FB2]  }
0x2a: {  	p0 =	seq.s32 s5, $0x0;
	s5 =	sld [smem:$0x3FB3]  }
0x2b: {  	s6 =	sld [smem:$0x3FB4]  }
0x2c: {  	s7 =	sld [smem:$0x3FB5]  }
0x2d: {  	s3 =	simm.s32 $0x108;
	s8 =	sld [smem:$0x3FB6]  }
0x2e: {  	s3 =	simm.s32 @!p0 $0x1082;
	s9 =	sld [smem:$0x3FB7]  }
0x2f: {  	lr =	sadd.s32 s0, s3;
	s0 =	sld [smem:$0x3FAE]  }
0x30: {  	s3 =	sld [smem:$0x3FB1]  }
0x31: {  	[smem:$0x3FBA] =	sst s10  }
0x32: {  	s10 =	sld [smem:$0x3FB8];
	_ =	sdelay $0x3  }
0x33: {  	p0 =	seq.s32 s10, $0x1;
	s10 =	sld [smem:$0x3FBA];
	_ =	sdelay $0x3  }
0x34: {  	[smem:$0x3FBA] =	sst s10  }
0x35: {  	s10 =	sld [smem:$0x3FB9];
	_ =	sdelay $0x3  }
0x36: {  	p1 =	seq.s32 s10, $0x1;
	s10 =	sld [smem:$0x3FBA];
	_ =	sdelay $0x3  }
0x37: {  	[smem:$0x3FBA] =	sst s10  }
0x38: {  	s10 =	sld [smem:$0x3FBB]  }
0x39: {  	_ = 	snop;
	(pc) =	sbr.ind lr, $3  }
0x3a: {  	_ = 	snop  }
0x3b: {  	_ = 	snop  }
0x3c: {  	p2 =	seq.s32 s10, $0x1;
	s10 =	sld [smem:$0x3FBA]  }
0x3d: {  	_ =	shalt  }
0x3e: {  	_ =	shalt  }
0x3f: {  	_ =	shalt  }
0x40: {  	_ =	shalt  }
0x41: {  	_ =	shalt  }
0x42: {  	_ =	shalt  }
0x43: {  	_ =	shalt  }
0x44: {  	_ =	shalt  }
0x45: {  	_ =	shalt  }
0x46: {  	_ =	shalt  }
0x47: {  	_ =	shalt  }
0x48: {  	_ =	shalt  }
0x49: {  	_ =	shalt  }
0x4a: {  	_ =	shalt  }
0x4b: {  	_ =	shalt  }
0x4c: {  	_ =	shalt  }
0x4d: {  	_ =	shalt  }
0x4e: {  	_ =	shalt  }
0x4f: {  	_ =	shalt  }
0x50: {  	_ =	shalt  }
0x51: {  	_ =	shalt  }
0x52: {  	_ =	shalt  }
0x53: {  	_ =	shalt  }
0x54: {  	_ =	shalt  }
0x55: {  	_ =	shalt  }
0x56: {  	_ =	shalt  }
0x57: {  	_ =	shalt  }
0x58: {  	_ =	shalt  }
0x59: {  	_ =	shalt  }
0x5a: {  	_ =	shalt  }
0x5b: {  	_ =	shalt  }
0x5c: {  	_ =	shalt  }
0x5d: {  	_ =	shalt  }
0x5e: {  	_ =	shalt  }
0x5f: {  	_ =	shalt  }
0x60: {  	_ =	shalt  }
0x61: {  	_ =	shalt  }
0x62: {  	_ =	shalt  }
0x63: {  	_ =	shalt  }
0x64: {  	_ =	shalt  }
0x65: {  	_ =	shalt  }
0x66: {  	_ =	shalt  }
0x67: {  	_ =	shalt  }
0x68: {  	_ =	shalt  }
0x69: {  	_ =	shalt  }
0x6a: {  	_ =	shalt  }
0x6b: {  	_ =	shalt  }
0x6c: {  	_ =	shalt  }
0x6d: {  	_ =	shalt  }
0x6e: {  	_ =	shalt  }
0x6f: {  	_ =	shalt  }
0x70: {  	_ =	shalt  }
0x71: {  	_ =	shalt  }
0x72: {  	_ =	shalt  }
0x73: {  	_ =	shalt  }
0x74: {  	_ =	shalt  }
0x75: {  	_ =	shalt  }
0x76: {  	_ =	shalt  }
0x77: {  	_ =	shalt  }
0x78: {  	_ =	shalt  }
0x79: {  	_ =	shalt  }
0x7a: {  	_ =	shalt  }
0x7b: {  	_ =	shalt  }
0x7c: {  	_ =	shalt  }
0x7d: {  	_ =	shalt  }
0x7e: {  	_ =	shalt  }
0x7f: {  	_ =	shalt  }
0x80: {  	_ =	shalt  }
0x81: {  	_ =	shalt  }
0x82: {  	_ =	shalt  }
0x83: {  	_ =	shalt  }
0x84: {  	_ =	shalt  }
0x85: {  	_ =	shalt  }
0x86: {  	_ =	shalt  }
0x87: {  	_ =	shalt  }
.Lfunc_end0:
.L_simem_size_0:
called_computation_lowered:
.L_overlay_start_0:
0x88: {  	s2 =	sld [smem:$0x3FD9]  }
0x89: {  	s3 =	sld [smem:$0x3FFE];
	_ =	sdelay $0x1  }
0x8a: {  	s1 =	srdreg.scid  }
0x8b: {  	s0 =	sand.u32 $0x1, s1  }
0x8c: {  	s24 =	sshll.u32 s0, $0xA;
	s2 =	sadd.s32 s3, s2  }
0x8d: {  	s2 =	sadd.s32 s2, s24  }
0x8e: {  	[smem:$0x3FC6] =	sst s2  }
0x8f: {  	_ = 	snop  }
0x90: {  	s25 =	sld [smem:$0x3FC9]  }
0x91: {  	s4 =	sld [smem:$0x3FC8]  }
0x92: {  	s5 =	sld [smem:$0x3FD0];
	(tm) =	ssettm $0x1  }
0x93: {  	s26 =	sld [smem:$0x3FFB];
	_ =	sdelay $0x3  }
0x94: {  	_ =	strace s26  }
0x95: {  	s2 =	sld [smem:$0x3FFC];
	_ =	sdelay $0x3  }
0x96: {  	_ =	strace s2  }
0x97: {  	s2 =	sld [smem:$0x3FFD];
	_ =	sdelay $0x3  }
0x98: {  	_ =	strace s2  }
0x99: {  	_ =	strace $0x8FFFFFFF  }
0x9a: {  	s28 =	sld [smem:$0x3FDB];
	_ =	sdelay $0x1  }
0x9b: {  	s6 =	simm.s32 $_scs_section_size  }
0x9c: {  	s7 =	simm.s32 $_size__tile_overlayer_lowered;
	s8 =	simm.s32 $_tile_overlayer_lowered  }
0x9d: {  	s9 =	simm.s32 $0x1BFF;
	s29 =	sshll.u32 s8, $0x1;
	s6 =	sadd.s32 s6, s28  }
0x9e: {  	s7 =	sshll.u32 s7, $0x1;
	s2 =	simm.s32 $0x0;
	s8 =	sadd.s32 s29, s6  }
0x9f: {  	[timem:s2], [sflag:s9] =	dma.local [hbm:s8], s7  }
0xa0: {  	_ =	swait.ge [sflag:s9], s7  }
0xa1: {  	s7 =	ssub.s32 $0x0, s7;
	[sflag:s9] =	ssyncset.done $0x0  }
0xa2: {  	[sflag:s9] =	ssyncadd.s32 s7;
	_ =	sdelay $0x1  }
0xa3: {  	s30 =	simm.s32 $0x1B8B  }
0xa4: {  	_ =	swait.ge [sflag:s30], $0x1  }
0xa5: {  	[sflag:s30] =	ssyncset.done $0x0  }
0xa6: {  	s31 =	simm.s32 $0x1B8E;
	[sflag:s30] =	ssyncadd.s32 $0xFFFFFFFF  }
0xa7: {  	s8 =	simm.s32 $execute0_lowered;
	[smem:$0x3FD2] =	sst s31  }
0xa8: {  	s7 =	sshll.u32 s8, $0x1;
	_ =	strace $0x80000046;
	[dreg:$0x1] =	wrdreg $0xFFFFFFFF  }
0xa9: {  	s9 =	simm.s32 $_size_execute0_lowered;
	s6 =	sadd.s32 s6, s7;
	[dreg:$0x0] =	wrdreg $0x0  }
0xaa: {  	s7 =	sshll.u32 s9, $0x1;
	[dreg:$0x2] =	wrdreg s6  }
0xab: {  	[dreg:$0x3] =	wrdreg s7  }
0xac: {  	[dreg:$0x4] =	wrdreg $0xC0  }
0xad: {  	_ =	task [dreg:s2], $0x5FFFF  }
0xae: {  	[dreg:$0x1] =	wrdreg $0xFFFFFFFF  }
0xaf: {  	[dreg:$0x0] =	wrdreg $0x60  }
0xb0: {  	[dreg:$0x2] =	wrdreg s4  }
0xb1: {  	[dreg:$0x3] =	wrdreg s5  }
0xb2: {  	[dreg:$0x4] =	wrdreg $0x0  }
0xb3: {  	[dreg:$0x5] =	wrdreg $0x9  }
0xb4: {  	s10 =	simm.s32 $0xA;
	_ =	task.clear_ibuf [dreg:s2], $0x6FFFF  }
0xb5: {  	[spmem:s2], [sflag:s10] =	dma.local [hbm:s25], $0x1E850  }
0xb6: {  	_ =	swait.ge [sflag:s10], $0x1E850  }
0xb7: {  	[sflag:s10] =	ssyncset.done $0x0  }
0xb8: {  	[sflag:s10] =	ssyncadd.s32 $0xFFFE17B0  }
0xb9: {  	s11 =	sld [smem:$0x0];
	_ =	sdelay $0x2  }
0xba: {  	s12 =	sshrl.u32 s1, $0x2  }
0xbb: {  	s13 =	sand.u32 $0x3, s1;
	s3 =	sadd.s32 s12, s11  }
0xbc: {  	s5 =	sshll.u32 s13, $0xE;
	s3 =	sshll.u32 s3, $0x11  }
0xbd: {  	s3 =	sor.u32 s3, s5  }
0xbe: {  	s5 =	sor.u32 $0x11C05, s3  }
0xbf: {  	s14 =	sor.u32 $0x11C45, s3;
	[sflag:s5] =	ssyncadd.remote.s32 $0x1  }
0xc0: {  	s15 =	sor.u32 $0x11C85, s3;
	[sflag:s14] =	ssyncadd.remote.s32 $0x1  }
0xc1: {  	s16 =	sor.u32 $0x11CC5, s3;
	[sflag:s15] =	ssyncadd.remote.s32 $0x1  }
0xc2: {  	s17 =	sor.u32 $0x11D05, s3;
	[sflag:s16] =	ssyncadd.remote.s32 $0x1  }
0xc3: {  	s18 =	sor.u32 $0x11D45, s3;
	[sflag:s17] =	ssyncadd.remote.s32 $0x1  }
0xc4: {  	s19 =	sor.u32 $0x11D85, s3;
	[sflag:s18] =	ssyncadd.remote.s32 $0x1  }
0xc5: {  	s20 =	sor.u32 $0x11DC5, s3;
	[sflag:s19] =	ssyncadd.remote.s32 $0x1  }
0xc6: {  	s21 =	sor.u32 $0x11E05, s3;
	[sflag:s20] =	ssyncadd.remote.s32 $0x1  }
0xc7: {  	s22 =	sor.u32 $0x11E45, s3;
	[sflag:s21] =	ssyncadd.remote.s32 $0x1  }
0xc8: {  	s23 =	sor.u32 $0x11E85, s3;
	[sflag:s22] =	ssyncadd.remote.s32 $0x1  }
0xc9: {  	s24 =	sor.u32 $0x11EC5, s3;
	[sflag:s23] =	ssyncadd.remote.s32 $0x1  }
0xca: {  	s25 =	sor.u32 $0x11F05, s3;
	[sflag:s24] =	ssyncadd.remote.s32 $0x1  }
0xcb: {  	s26 =	sor.u32 $0x11F45, s3;
	[sflag:s25] =	ssyncadd.remote.s32 $0x1  }
0xcc: {  	s28 =	sor.u32 $0x11F85, s3;
	[sflag:s26] =	ssyncadd.remote.s32 $0x1  }
0xcd: {  	s3 =	sor.u32 $0x11FC5, s3;
	[sflag:s28] =	ssyncadd.remote.s32 $0x1  }
0xce: {  	[sflag:s3] =	ssyncadd.remote.s32 $0x1  }
0xcf: {  	_ =	strace $0x90000046  }
0xd0: {  	s29 =	simm.s32 $0x9;
	_ =	strace $0x80000057  }
0xd1: {  	_ =	swait.ge [sflag:s29], $0x1  }
0xd2: {  	[sflag:s29] =	ssyncadd.s32 $0xFFFFFFFF  }
0xd3: {  	_ =	strace $0x90000057  }
0xd4: {  	_ =	sfence  }
0xd5: {  	s30 =	sld [smem:$0x0];
	_ =	sdelay $0x2  }
0xd6: {  	s1 =	sshll.u32 s1, $0xD  }
0xd7: {  	s1 =	sand.u32 $0x4000, s1;
	s3 =	sadd.s32 s12, s30  }
0xd8: {  	s0 =	sor.u32 s1, s0;
	s31 =	sshll.u32 s3, $0x11  }
0xd9: {  	s0 =	sor.u32 s31, s0  }
0xda: {  	s0 =	sadd.s32 $0x8F2B, s0  }
0xdb: {  	[sflag:s0] =	ssyncadd.remote.s32 $0x1  }
0xdc: {  	_ =	sfence.sel $0xFFFF  }
0xdd: {  	[dreg:$0x0] =	wrdreg $0xFFFFFFFF;
	(pc) =	sbr.abs _section_cstart, $3  }
0xde: {  	[dreg:$0x1] =	wrdreg $0xFFFFFFFF  }
0xdf: {  	_ =	task.clear_ibuf [dreg:s2], $0x2FFFF;
	_ =	strace $0x9FFFFFFF  }
0xe0: {  	(tm) =	ssettm $0x7FFFFFFF  }
0xe1: {  	_ =	shalt  }
tec
execute0_lowered:
.L_overlay_start_1:
0x0: {  	(tag) =	ssettag $0x1  }
0x1: {  	s0 =	rddreg [dreg:$0x0]  }
0x2: {  	s1 =	rddreg [dreg:$0x1]  }
0x3: {  	s2 =	rddreg [dreg:$0x2]  }
0x4: {  	s4 =	srdreg.scid;
	s3 =	simm.s32 $0x0;
	s5 =	stileid.u32  }
0x5: {  	s15 =	simm.s32 $0x400;
	s16 =	simm.s32 $0x20000;
	s18 =	simm.s32 $0x12428  }
0x6: {  	s19 =	simm.s32 $0x12828;
	s20 =	simm.s32 $0x15828;
	s21 =	simm.s32 $0x1  }
0x7: {  	s22 =	simm.s32 $0x5;
	s23 =	simm.s32 $0x80;
	s28 =	simm.s32 $0x4  }
0x8: {  	s29 =	simm.s32 $0x3;
	s30 =	simm.s32 $0x19028;
	s4 =	sand.u32 $0x1, s4  }
0x9: {  	s31 =	simm.s32 $0x1C028;
	s5 =	sshll.u32 s5, $0xA;
	s6 =	sshll.u32 s4, $0x9  }
0xa: {  	[smem:$0x7FF] =	sst s3;
	s4 =	ssub.s32 $0x2, s4;
	s5 =	sor.u32 s6, s5  }
0xb: {  	_ =	strace $0x80000047;
	s24 =	sshrl.u32 s4, $0x1;
	s8 =	sadd.s32 s0, s5  }
0xc: {  	s7 =	sor.u32 $0x80, s5;
	s4 =	ssub.s32 s4, s24;
	s12 =	sor.u32 $0x100, s5  }
0xd: {  	s24 =	simm.s32 $0x2;
	[dreg:$0x4] =	wrdreg s8;
	s25 =	sadd.s32 $0x30000, s8  }
0xe: {  	s6 =	sadd.s32 s0, s7;
	s8 =	sadd.s32 s1, s5;
	s9 =	sadd.s32 s0, s12  }
0xf: {  	s10 =	sadd.s32 s1, s7;
	s5 =	sor.u32 $0x180, s5;
	s12 =	sadd.s32 s1, s12  }
0x10: {  	s14 =	smax.u32 s4, $0x1;
	[dreg:$0x5] =	wrdreg s25;
	s26 =	sadd.s32 $0x30000, s6  }
0x11: {  	s11 =	sadd.s32 s0, s5;
	s13 =	sadd.s32 s1, s5;
	s25 =	simm.s32 $0x15C28  }
0x12: {  	s0 =	simm.s32 $0x0;
	[dreg:$0x6] =	wrdreg s26;
	s26 =	simm.s32 $0x18C28  }
.LBB2_1:
0x13: {  	s1 =	rddreg [dreg:$0x4];
	s4 =	simm.s32 $0xF428  }
0x14: {  	[tilespmem:s4], [sflag:$0x1] =	stream.strided.gather [hbm4b:s1+s15], $0x3000, s16, s15, $0x38;
	[tilespmem:$0x1C428] =	vst v63  }
0x15: {  	s4 =	rddreg [dreg:$0x5]  }
0x16: {  	[tilespmem:s18], [sflag:$0x1] =	stream.linear.gather [hbm4b:s4+s3], $0x200, $0x38;
	[tilespmem:$0x1C428] =	vst v63  }
0x17: {  	_ = 	snop  }
0x18: {  	[tilespmem:s19], [sflag:$0x1] =	stream.strided.gather [hbm4b:s6+s15], $0x3000, s16, s15, $0x38;
	[tilespmem:$0x1C428] =	vst v63  }
0x19: {  	s5 =	rddreg [dreg:$0x6]  }
0x1a: {  	[tilespmem:s20], [sflag:$0x1] =	stream.linear.gather [hbm4b:s5+s3], $0x200, $0x38;
	[tilespmem:$0x1C428] =	vst v63  }
0x1b: {  	_ =	swait.ge [sflag:s21], $0x3200  }
0x1c: {  	[sflag:s21] =	ssyncset.done $0x0  }
0x1d: {  	[sflag:s21] =	ssyncadd.s32 $0xFFFFCE00  }
0x1e: {  	_ =	strace $0x80000048  }
0x1f: {  	_ =	swait.ge [sflag:s22], $0x1  }
0x20: {  	[sflag:s22] =	ssyncset.done $0x0  }
0x21: {  	[sflag:s22] =	ssyncadd.s32 $0xFFFFFFFF  }
0x22: {  	_ =	strace $0x90000048  }
0x23: {  	s7 =	simm.s32 $0x15C28;
	s17 =	simm.s32 $0xF428;
	_ =	strace $0x80000049  }
0x24: {  	[tilespmem:s7], [sflag:$0x2] =	stream.indirect.gather [spmem:s2], $0x1, s17, s23, $0x2000b8;
	[tilespmem:$0x1C428] =	vst v63  }
0x25: {  	s4 =	simm.s32 $0x15CA8;
	s5 =	simm.s32 $0xF4A8  }
0x26: {  	[tilespmem:s4], [sflag:$0x2] =	stream.indirect.gather [spmem:s2], $0x1, s5, s23, $0x2000b8;
	[tilespmem:$0x1C428] =	vst v63  }
0x27: {  	s1 =	simm.s32 $0x0;
	s7 =	simm.s32 $0x15D28;
	s17 =	simm.s32 $0xF528  }
0x28: {  	[tilespmem:s7], [sflag:$0x2] =	stream.indirect.gather [spmem:s2], $0x1, s17, s23, $0x2000b8;
	[tilespmem:$0x1C428] =	vst v63  }
0x29: {  	s4 =	simm.s32 $0xF5A8;
	s5 =	simm.s32 $0x800;
	s7 =	simm.s32 $0x15DA8  }
.LBB2_2:
0x2a: {  	[tilespmem:s7], [sflag:$0x2] =	stream.indirect.gather [spmem:s2], $0x1, s4, s23, $0x2000b8;
	[tilespmem:$0x1C428] =	vst v63  }
0x2b: {  	s4 =	sshra.s32 s5, $0x2;
	s1 =	sadd.s32 $0x4, s1  }
0x2c: {  	s7 =	sadd.s32 $0x15C28, s4;
	s17 =	sadd.s32 $0xF428, s4;
	p0 =	slt.u32 s1, $0x60  }
0x2d: {  	[tilespmem:s7], [sflag:$0x2] =	stream.indirect.gather [spmem:s2], $0x1, s17, s23, $0x2000b8;
	[tilespmem:$0x1C428] =	vst v63  }
.Ltmp0:
0x2e: {  	s7 =	sadd.s32 $0x15CA8, s4;
	s17 =	sadd.s32 $0xF4A8, s4;
	(pc) =	sbr.rel @p0 .LBB2_2-.Ltmp0, $4  }
0x2f: {  	[tilespmem:s7], [sflag:$0x2] =	stream.indirect.gather [spmem:s2], $0x1, s17, s23, $0x2000b8;
	[tilespmem:$0x1C428] =	vst v63  }
0x30: {  	s7 =	sadd.s32 $0x15D28, s4;
	s17 =	sadd.s32 $0xF528, s4  }
0x31: {  	[tilespmem:s7], [sflag:$0x2] =	stream.indirect.gather [spmem:s2], $0x1, s17, s23, $0x2000b8;
	[tilespmem:$0x1C428] =	vst v63  }
0x32: {  	s5 =	sadd.s32 $0x800, s5;
	s7 =	sadd.s32 $0x15DA8, s4;
	s4 =	sadd.s32 $0xF5A8, s4  }
0x33: {  	[tilespmem:s7], [sflag:$0x2] =	stream.indirect.gather [spmem:s2], $0x1, s4, s23, $0x2000b8;
	[tilespmem:$0x1C428] =	vst v63  }
0x34: {  	_ =	strace $0x90000049  }
0x35: {  	_ =	strace $0x8000004A  }
0x36: {  	_ =	swait.ge [sflag:s21], $0x3200  }
0x37: {  	[sflag:s21] =	ssyncset.done $0x0  }
0x38: {  	[sflag:s21] =	ssyncadd.s32 $0xFFFFCE00  }
0x39: {  	_ =	strace $0x9000004A  }
0x3a: {  	_ =	strace $0x8000004B  }
0x3b: {  	_ =	swait.ge [sflag:s24], $0x3200  }
0x3c: {  	[sflag:s24] =	ssyncset.done $0x0  }
0x3d: {  	[sflag:s24] =	ssyncadd.s32 $0xFFFFCE00  }
0x3e: {  	_ =	strace $0x9000004B  }
0x3f: {  	[hbm4b:s8+s15] =	stream.strided.scatter [tilespmem:s25], [sflag:$0x4], $0x3000, s16, s15, $0x38;
	[tilespmem:$0x1C428] =	vst v63  }
0x40: {  	s1 =	sadd.s32 $0x30000, s8;
	s7 =	simm.s32 $0x0  }
0x41: {  	[hbm4b:s1+s7] =	stream.linear.scatter [tilespmem:s26], [sflag:$0x4], $0x200, $0x38;
	[tilespmem:$0x1C428] =	vst v63  }
0x42: {  	s17 =	simm.s32 $0xF428  }
0x43: {  	[tilespmem:s17], [sflag:$0x1] =	stream.strided.gather [hbm4b:s9+s15], $0x3000, s16, s15, $0x38;
	[tilespmem:$0x1C428] =	vst v63  }
0x44: {  	s5 =	sadd.s32 $0x30000, s9  }
0x45: {  	[tilespmem:s18], [sflag:$0x1] =	stream.linear.gather [hbm4b:s5+s7], $0x200, $0x38;
	[tilespmem:$0x1C428] =	vst v63  }
0x46: {  	s17 =	simm.s32 $0x12828;
	s7 =	simm.s32 $0x19028;
	_ =	strace $0x8000004C  }
0x47: {  	[tilespmem:s7], [sflag:$0x3] =	stream.indirect.gather [spmem:s2], $0x1, s17, s23, $0x2000b8;
	[tilespmem:$0x1C428] =	vst v63  }
0x48: {  	s4 =	simm.s32 $0x190A8;
	s5 =	simm.s32 $0x128A8  }
0x49: {  	[tilespmem:s4], [sflag:$0x3] =	stream.indirect.gather [spmem:s2], $0x1, s5, s23, $0x2000b8;
	[tilespmem:$0x1C428] =	vst v63  }
0x4a: {  	s1 =	simm.s32 $0x0;
	s7 =	simm.s32 $0x19128;
	s17 =	simm.s32 $0x12928  }
0x4b: {  	[tilespmem:s7], [sflag:$0x3] =	stream.indirect.gather [spmem:s2], $0x1, s17, s23, $0x2000b8;
	[tilespmem:$0x1C428] =	vst v63  }
0x4c: {  	s4 =	simm.s32 $0x129A8;
	s5 =	simm.s32 $0x800;
	s7 =	simm.s32 $0x191A8  }
.LBB2_4:
0x4d: {  	[tilespmem:s7], [sflag:$0x3] =	stream.indirect.gather [spmem:s2], $0x1, s4, s23, $0x2000b8;
	[tilespmem:$0x1C428] =	vst v63  }
0x4e: {  	s4 =	sshra.s32 s5, $0x2;
	s1 =	sadd.s32 $0x4, s1  }
0x4f: {  	s7 =	sadd.s32 $0x19028, s4;
	s17 =	sadd.s32 $0x12828, s4;
	p0 =	slt.u32 s1, $0x60  }
0x50: {  	[tilespmem:s7], [sflag:$0x3] =	stream.indirect.gather [spmem:s2], $0x1, s17, s23, $0x2000b8;
	[tilespmem:$0x1C428] =	vst v63  }
.Ltmp1:
0x51: {  	s7 =	sadd.s32 $0x190A8, s4;
	s17 =	sadd.s32 $0x128A8, s4;
	(pc) =	sbr.rel @p0 .LBB2_4-.Ltmp1, $4  }
0x52: {  	[tilespmem:s7], [sflag:$0x3] =	stream.indirect.gather [spmem:s2], $0x1, s17, s23, $0x2000b8;
	[tilespmem:$0x1C428] =	vst v63  }
0x53: {  	s7 =	sadd.s32 $0x19128, s4;
	s17 =	sadd.s32 $0x12928, s4  }
0x54: {  	[tilespmem:s7], [sflag:$0x3] =	stream.indirect.gather [spmem:s2], $0x1, s17, s23, $0x2000b8;
	[tilespmem:$0x1C428] =	vst v63  }
0x55: {  	s5 =	sadd.s32 $0x800, s5;
	s7 =	sadd.s32 $0x191A8, s4;
	s4 =	sadd.s32 $0x129A8, s4  }
0x56: {  	[tilespmem:s7], [sflag:$0x3] =	stream.indirect.gather [spmem:s2], $0x1, s4, s23, $0x2000b8;
	[tilespmem:$0x1C428] =	vst v63  }
0x57: {  	_ =	strace $0x9000004C  }
0x58: {  	_ =	strace $0x8000004D  }
0x59: {  	_ =	swait.ge [sflag:s21], $0x3200  }
0x5a: {  	[sflag:s21] =	ssyncset.done $0x0  }
0x5b: {  	[sflag:s21] =	ssyncadd.s32 $0xFFFFCE00  }
0x5c: {  	_ =	strace $0x9000004D  }
0x5d: {  	_ =	strace $0x8000004E  }
0x5e: {  	_ =	swait.ge [sflag:s28], $0x3200  }
0x5f: {  	[sflag:s28] =	ssyncset.done $0x0  }
0x60: {  	[sflag:s28] =	ssyncadd.s32 $0xFFFFCE00  }
0x61: {  	_ =	strace $0x9000004E  }
0x62: {  	_ =	strace $0x8000004F  }
0x63: {  	_ =	swait.ge [sflag:s29], $0x3200  }
0x64: {  	[sflag:s29] =	ssyncset.done $0x0  }
0x65: {  	[sflag:s29] =	ssyncadd.s32 $0xFFFFCE00  }
0x66: {  	_ =	strace $0x9000004F  }
0x67: {  	[hbm4b:s10+s15] =	stream.strided.scatter [tilespmem:s30], [sflag:$0x4], $0x3000, s16, s15, $0x38;
	[tilespmem:$0x1C428] =	vst v63  }
0x68: {  	s1 =	sadd.s32 $0x30000, s10;
	s17 =	simm.s32 $0x0  }
0x69: {  	[hbm4b:s1+s17] =	stream.linear.scatter [tilespmem:s31], [sflag:$0x4], $0x200, $0x38;
	[tilespmem:$0x1C428] =	vst v63  }
0x6a: {  	_ = 	snop  }
0x6b: {  	[tilespmem:s19], [sflag:$0x1] =	stream.strided.gather [hbm4b:s11+s15], $0x3000, s16, s15, $0x38;
	[tilespmem:$0x1C428] =	vst v63  }
0x6c: {  	s5 =	sadd.s32 $0x30000, s11  }
0x6d: {  	[tilespmem:s20], [sflag:$0x1] =	stream.linear.gather [hbm4b:s5+s17], $0x200, $0x38;
	[tilespmem:$0x1C428] =	vst v63  }
0x6e: {  	s7 =	simm.s32 $0x15C28;
	s17 =	simm.s32 $0xF428;
	_ =	strace $0x80000050  }
0x6f: {  	[tilespmem:s7], [sflag:$0x2] =	stream.indirect.gather [spmem:s2], $0x1, s17, s23, $0x2000b8;
	[tilespmem:$0x1C428] =	vst v63  }
0x70: {  	s4 =	simm.s32 $0x15CA8;
	s5 =	simm.s32 $0xF4A8  }
0x71: {  	[tilespmem:s4], [sflag:$0x2] =	stream.indirect.gather [spmem:s2], $0x1, s5, s23, $0x2000b8;
	[tilespmem:$0x1C428] =	vst v63  }
0x72: {  	s1 =	simm.s32 $0x0;
	s7 =	simm.s32 $0x15D28;
	s17 =	simm.s32 $0xF528  }
0x73: {  	[tilespmem:s7], [sflag:$0x2] =	stream.indirect.gather [spmem:s2], $0x1, s17, s23, $0x2000b8;
	[tilespmem:$0x1C428] =	vst v63  }
0x74: {  	s4 =	simm.s32 $0xF5A8;
	s5 =	simm.s32 $0x800;
	s7 =	simm.s32 $0x15DA8  }
.LBB2_6:
0x75: {  	[tilespmem:s7], [sflag:$0x2] =	stream.indirect.gather [spmem:s2], $0x1, s4, s23, $0x2000b8;
	[tilespmem:$0x1C428] =	vst v63  }
0x76: {  	s4 =	sshra.s32 s5, $0x2;
	s1 =	sadd.s32 $0x4, s1  }
0x77: {  	s7 =	sadd.s32 $0x15C28, s4;
	s17 =	sadd.s32 $0xF428, s4;
	p0 =	slt.u32 s1, $0x60  }
0x78: {  	[tilespmem:s7], [sflag:$0x2] =	stream.indirect.gather [spmem:s2], $0x1, s17, s23, $0x2000b8;
	[tilespmem:$0x1C428] =	vst v63  }
.Ltmp2:
0x79: {  	s7 =	sadd.s32 $0x15CA8, s4;
	s17 =	sadd.s32 $0xF4A8, s4;
	(pc) =	sbr.rel @p0 .LBB2_6-.Ltmp2, $4  }
0x7a: {  	[tilespmem:s7], [sflag:$0x2] =	stream.indirect.gather [spmem:s2], $0x1, s17, s23, $0x2000b8;
	[tilespmem:$0x1C428] =	vst v63  }
0x7b: {  	s7 =	sadd.s32 $0x15D28, s4;
	s17 =	sadd.s32 $0xF528, s4  }
0x7c: {  	[tilespmem:s7], [sflag:$0x2] =	stream.indirect.gather [spmem:s2], $0x1, s17, s23, $0x2000b8;
	[tilespmem:$0x1C428] =	vst v63  }
0x7d: {  	s5 =	sadd.s32 $0x800, s5;
	s7 =	sadd.s32 $0x15DA8, s4;
	s4 =	sadd.s32 $0xF5A8, s4  }
0x7e: {  	[tilespmem:s7], [sflag:$0x2] =	stream.indirect.gather [spmem:s2], $0x1, s4, s23, $0x2000b8;
	[tilespmem:$0x1C428] =	vst v63  }
0x7f: {  	_ =	strace $0x90000050  }
0x80: {  	_ =	strace $0x80000051  }
0x81: {  	_ =	swait.ge [sflag:s21], $0x3200  }
0x82: {  	[sflag:s21] =	ssyncset.done $0x0  }
0x83: {  	[sflag:s21] =	ssyncadd.s32 $0xFFFFCE00  }
0x84: {  	_ =	strace $0x90000051  }
0x85: {  	_ =	strace $0x80000052  }
0x86: {  	_ =	swait.ge [sflag:s28], $0x3200  }
0x87: {  	[sflag:s28] =	ssyncset.done $0x0  }
0x88: {  	[sflag:s28] =	ssyncadd.s32 $0xFFFFCE00  }
0x89: {  	_ =	strace $0x90000052  }
0x8a: {  	_ =	strace $0x80000053  }
0x8b: {  	_ =	swait.ge [sflag:s24], $0x3200  }
0x8c: {  	[sflag:s24] =	ssyncset.done $0x0  }
0x8d: {  	[sflag:s24] =	ssyncadd.s32 $0xFFFFCE00  }
0x8e: {  	_ =	strace $0x90000053  }
0x8f: {  	[hbm4b:s12+s15] =	stream.strided.scatter [tilespmem:s25], [sflag:$0x4], $0x3000, s16, s15, $0x38;
	[tilespmem:$0x1C428] =	vst v63  }
0x90: {  	s1 =	sadd.s32 $0x30000, s12;
	s5 =	simm.s32 $0x0  }
0x91: {  	[hbm4b:s1+s5] =	stream.linear.scatter [tilespmem:s26], [sflag:$0x4], $0x200, $0x38;
	[tilespmem:$0x1C428] =	vst v63  }
0x92: {  	s7 =	simm.s32 $0x19028;
	s17 =	simm.s32 $0x12828;
	_ =	strace $0x80000054  }
0x93: {  	[tilespmem:s7], [sflag:$0x3] =	stream.indirect.gather [spmem:s2], $0x1, s17, s23, $0x2000b8;
	[tilespmem:$0x1C428] =	vst v63  }
0x94: {  	s4 =	simm.s32 $0x190A8;
	s5 =	simm.s32 $0x128A8  }
0x95: {  	[tilespmem:s4], [sflag:$0x3] =	stream.indirect.gather [spmem:s2], $0x1, s5, s23, $0x2000b8;
	[tilespmem:$0x1C428] =	vst v63  }
0x96: {  	s1 =	simm.s32 $0x0;
	s7 =	simm.s32 $0x19128;
	s17 =	simm.s32 $0x12928  }
0x97: {  	[tilespmem:s7], [sflag:$0x3] =	stream.indirect.gather [spmem:s2], $0x1, s17, s23, $0x2000b8;
	[tilespmem:$0x1C428] =	vst v63  }
0x98: {  	s4 =	simm.s32 $0x129A8;
	s5 =	simm.s32 $0x800;
	s7 =	simm.s32 $0x191A8  }
.LBB2_8:
0x99: {  	[tilespmem:s7], [sflag:$0x3] =	stream.indirect.gather [spmem:s2], $0x1, s4, s23, $0x2000b8;
	[tilespmem:$0x1C428] =	vst v63  }
0x9a: {  	s4 =	sshra.s32 s5, $0x2;
	s1 =	sadd.s32 $0x4, s1  }
0x9b: {  	s7 =	sadd.s32 $0x19028, s4;
	s17 =	sadd.s32 $0x12828, s4;
	p0 =	slt.u32 s1, $0x60  }
0x9c: {  	[tilespmem:s7], [sflag:$0x3] =	stream.indirect.gather [spmem:s2], $0x1, s17, s23, $0x2000b8;
	[tilespmem:$0x1C428] =	vst v63  }
.Ltmp3:
0x9d: {  	s7 =	sadd.s32 $0x190A8, s4;
	s17 =	sadd.s32 $0x128A8, s4;
	(pc) =	sbr.rel @p0 .LBB2_8-.Ltmp3, $4  }
0x9e: {  	[tilespmem:s7], [sflag:$0x3] =	stream.indirect.gather [spmem:s2], $0x1, s17, s23, $0x2000b8;
	[tilespmem:$0x1C428] =	vst v63  }
0x9f: {  	s7 =	sadd.s32 $0x19128, s4;
	s17 =	sadd.s32 $0x12928, s4  }
0xa0: {  	[tilespmem:s7], [sflag:$0x3] =	stream.indirect.gather [spmem:s2], $0x1, s17, s23, $0x2000b8;
	[tilespmem:$0x1C428] =	vst v63  }
0xa1: {  	s5 =	sadd.s32 $0x800, s5;
	s7 =	sadd.s32 $0x191A8, s4;
	s4 =	sadd.s32 $0x129A8, s4  }
0xa2: {  	[tilespmem:s7], [sflag:$0x3] =	stream.indirect.gather [spmem:s2], $0x1, s4, s23, $0x2000b8;
	[tilespmem:$0x1C428] =	vst v63  }
0xa3: {  	_ =	strace $0x90000054  }
0xa4: {  	_ =	strace $0x80000055  }
0xa5: {  	_ =	swait.ge [sflag:s29], $0x3200  }
0xa6: {  	[sflag:s29] =	ssyncset.done $0x0  }
0xa7: {  	[sflag:s29] =	ssyncadd.s32 $0xFFFFCE00  }
0xa8: {  	_ =	strace $0x90000055  }
0xa9: {  	[hbm4b:s13+s15] =	stream.strided.scatter [tilespmem:s30], [sflag:$0x4], $0x3000, s16, s15, $0x38;
	[tilespmem:$0x1C428] =	vst v63  }
0xaa: {  	s1 =	sadd.s32 $0x30000, s13  }
0xab: {  	[hbm4b:s1+s3] =	stream.linear.scatter [tilespmem:s31], [sflag:$0x4], $0x200, $0x38;
	[tilespmem:$0x1C428] =	vst v63  }
0xac: {  	_ =	strace $0x80000056  }
0xad: {  	s0 =	sadd.s32 $0x1, s0;
	_ =	swait.ge [sflag:s28], $0x3200  }
0xae: {  	p0 =	sne.s32 s0, s14;
	[sflag:s28] =	ssyncset.done $0x0  }
.Ltmp4:
0xaf: {  	[sflag:s28] =	ssyncadd.s32 $0xFFFFCE00;
	(pc) =	sbr.rel @p0 .LBB2_1-.Ltmp4, $4  }
0xb0: {  	_ =	swait.ge [sflag:s28], $0x3200  }
0xb1: {  	[sflag:s28] =	ssyncset.done $0x0  }
0xb2: {  	[sflag:s28] =	ssyncadd.s32 $0xFFFFCE00  }
0xb3: {  	_ =	strace $0x90000056  }
0xb4: {  	_ =	sfence.sel $0x180000  }
0xb5: {  	[bflag:$0x0] =	sbarrier.arrive $0xFFFF  }
0xb6: {  	_ =	strace $0x90000047  }
0xb7: {  	s0 =	stileid.u32;
	[bflag:$0x2] =	sbarrier.arrive $0xFFFF  }
0xb8: {  	p0 =	sne.s32 s0, $0x0;
	s0 =	rddreg [dreg:$0x3]  }
0xb9: {  	s0 =	sadd.s32 @!p0 $0x100000, s0  }
0xba: {  	[sflag:s0] =	ssyncadd.tile.s32 @!p0 $0x1;
	_ =	shalt  }
.Lfunc_end2:
_tile_overlayer_lowered:
.L_overlay_start_2:
0xbb: {  	(tag) =	ssettag $0x2  }
0xbc: {  	s0 =	rddreg [dreg:$0x0];
	s2 =	stileid.u32  }
0xbd: {  	s1 =	rddreg [dreg:$0x1];
	p0 =	sne.s32 s2, $0x0  }
0xbe: {  	s3 =	rddreg [dreg:$0x2];
	[bflag:$0x3] =	sbarrier.arrive $0xFFFF;
	s2 =	simm.s32 @!p0 $0x1C06  }
0xbf: {  	[timem:s3], [sflag:s2] =	dma.local @!p0 [hbm:s0], s1  }
0xc0: {  	s0 =	simm.s32 @!p0 $0x6  }
0xc1: {  	_ =	swait.ge @!p0 [sflag:s0], s1  }
0xc2: {  	s1 =	ssub.s32 @!p0 $0x0, s1;
	[sflag:s0] =	ssyncset.done @!p0 $0x0  }
0xc3: {  	[sflag:s0] =	ssyncadd.s32 @!p0 s1  }
0xc4: {  	[bflag:$0x3] =	sbarrier.arrive $0xFFFF  }
0xc5: {  	_ =	shalt  }

</sc_bundles>
